<compile_context>
chip_gen: v7x
topology: tpu7x:2x2x1
jax: 0.10.2.dev20260603
libtpu: 0.0.44.dev20260713+nightly
codegen_flags: <defaults>
</compile_context>

<pallas_src>
import jax
import jax.numpy as jnp
from jax import lax
from jax.experimental import pallas as pl
from jax.experimental.pallas import tpu as pltpu
from jax.experimental.pallas import tpu_sc as plsc

N = 16384
C = 1000
TOPK = 4096
BCOL = 2048
NBLK = N // BCOL


def _loss_body(y_ref, t_ref, out_ref):
    x = y_ref[...]
    labels = t_ref[0, 0]
    m = jnp.max(x, axis=0)
    s = jnp.sum(jnp.exp(x - m[None, :]), axis=0)
    logz = m + jnp.log(s)
    rows = jax.lax.broadcasted_iota(jnp.int32, x.shape, 0)
    tl = jnp.sum(jnp.where(rows == labels[None, :], x, 0.0), axis=0)
    out_ref[0, 0, :] = logz - tl


PER_TILE = N // 16
_NV = PER_TILE // 16
_SCALE = 1024.0


def _sc_select_body(loss_hbm, out_hbm, vals, stage, slots, sem):
    cid = lax.axis_index("c")
    sid = lax.axis_index("s")

    @pl.when(cid == 0)
    def _():
        pltpu.sync_copy(loss_hbm.at[pl.ds(sid * PER_TILE, PER_TILE)], vals)

        @pl.when(sid == 0)
        def _():
            for r in range(73):
                slots[r] = 0

        plsc.subcore_barrier()

        def round3_step(r, t):
            shift = 28 - 3 * r
            cands = [t | jnp.left_shift(jnp.int32(d), shift)
                     for d in range(1, 8)]

            def step(j, accs):
                u = jax.lax.bitcast_convert_type(
                    vals[pl.ds(j * 16, 16)], jnp.int32)
                return tuple(a + jnp.where(u >= c, 1, 0)
                             for a, c in zip(accs, cands))

            accs = jax.lax.fori_loop(
                0, _NV, step,
                tuple(jnp.zeros((16,), jnp.int32) for _ in range(7)))
            base = 7 * r
            for d in range(7):
                plsc.fetch_and_add(slots.at[base + d], jnp.sum(accs[d]),
                                   subcore_id=0)
            plsc.subcore_barrier()
            dstar = jnp.int32(0)
            for d in range(7):
                total = plsc.fetch_and_add(slots.at[base + d],
                                           jnp.int32(0), subcore_id=0)
                dstar = dstar + jnp.where(total >= TOPK, 1, 0)
            return t | jnp.left_shift(dstar, shift)

        t = jax.lax.fori_loop(0, 10, round3_step, jnp.int32(0))

        def count_ge(t2):
            def step(j, acc):
                u = jax.lax.bitcast_convert_type(
                    vals[pl.ds(j * 16, 16)], jnp.int32)
                return acc + jnp.where(u >= t2, 1, 0)

            acc = jax.lax.fori_loop(0, _NV, step,
                                    jnp.zeros((16,), jnp.int32))
            return jnp.sum(acc)

        t2 = t | jnp.int32(1)
        plsc.fetch_and_add(slots.at[70], count_ge(t2), subcore_id=0)
        plsc.subcore_barrier()
        total = plsc.fetch_and_add(slots.at[70], jnp.int32(0),
                                   subcore_id=0)
        t = jnp.where(total >= TOPK, t2, t)
        thr = jax.lax.bitcast_convert_type(t, jnp.float32)

        def tail(j, carry):
            s_acc, c_acc = carry
            v = vals[pl.ds(j * 16, 16)]
            u = jax.lax.bitcast_convert_type(v, jnp.int32)
            gt = u > t
            return (s_acc + jnp.where(gt, v, 0.0),
                    c_acc + jnp.where(gt, 1, 0))

        s_vec, c_vec = jax.lax.fori_loop(
            0, _NV, tail,
            (jnp.zeros((16,), jnp.float32), jnp.zeros((16,), jnp.int32)))
        plsc.fetch_and_add(slots.at[71], jnp.sum(c_vec), subcore_id=0)
        s_fix = (jnp.sum(s_vec) * _SCALE + 0.5).astype(jnp.int32)
        plsc.fetch_and_add(slots.at[72], s_fix, subcore_id=0)
        plsc.subcore_barrier()

        @pl.when(sid == 0)
        def _():
            cnt_gt = plsc.fetch_and_add(slots.at[71], jnp.int32(0),
                                        subcore_id=0)
            sum_fix = plsc.fetch_and_add(slots.at[72], jnp.int32(0),
                                         subcore_id=0)
            sum_gt = sum_fix.astype(jnp.float32) * jnp.float32(1.0 / _SCALE)
            mean = ((sum_gt + (TOPK - cnt_gt).astype(jnp.float32) * thr)
                    * jnp.float32(1.0 / TOPK))
            stage[...] = jnp.full((16,), mean, jnp.float32)
            pltpu.sync_copy(stage, out_hbm)


_sc_select = pl.kernel(
    _sc_select_body,
    out_type=jax.ShapeDtypeStruct((16,), jnp.float32),
    mesh=plsc.VectorSubcoreMesh(core_axis_name="c", subcore_axis_name="s"),
    compiler_params=pltpu.CompilerParams(needs_layout_passes=False),
    scratch_types=[
        pltpu.VMEM((PER_TILE,), jnp.float32),
        pltpu.VMEM((16,), jnp.float32),
        pltpu.SMEM((73,), jnp.int32),
        pltpu.SemaphoreType.DMA,
    ],
)


def kernel(y_pred, y_true):
    y_t = y_pred.T
    loss = pl.pallas_call(
        _loss_body,
        grid=(NBLK,),
        in_specs=[
            pl.BlockSpec((C, BCOL), lambda i: (0, i)),
            pl.BlockSpec((1, 1, BCOL), lambda i: (i, 0, 0)),
        ],
        out_specs=pl.BlockSpec((1, 1, BCOL), lambda i: (i, 0, 0)),
        out_shape=jax.ShapeDtypeStruct((NBLK, 1, BCOL), jnp.float32),
    )(y_t, y_true.reshape(NBLK, 1, BCOL))

    out = _sc_select(loss.reshape(N))
    return out[0]

# --- scband reference (transcript-rebuilt; emitter-appended) ---
"""Pipeline reference for scband-ohemloss-42889543418055 (READ-ONLY COPY).

The authoritative reference and input builder live on the scoring server;
editing this copy changes nothing except your own understanding.
"""

import jax, jax.numpy as jnp
import numpy as np

K = 4096


def setup_inputs(seed: int = 0) -> dict:
    key = jax.random.key(seed)
    k1, k2 = jax.random.split(key)
    y_pred = jax.random.normal(k1, (16384, 1000), dtype=jnp.float32)
    y_true = jax.random.randint(k2, (16384,), 0, 1000, dtype=jnp.int32)
    return {"y_pred": y_pred, "y_true": y_true}


def reference(y_pred, y_true):
    # per-sample cross entropy, reduction='none'
    logZ = jax.nn.logsumexp(y_pred, axis=-1)
    true_logit = jnp.take_along_axis(y_pred, y_true[:, None].astype(jnp.int32), axis=1)[:, 0]
    loss = logZ - true_logit
    # OHEM: keep top-k hardest examples
    k = K if y_pred.shape[0] >= K else y_pred.shape[0]
    _, idxs = jax.lax.top_k(loss, k)
    return jnp.mean(loss[idxs])

if __name__ == "__main__":
    import jax
    _d = setup_inputs()
    print(jax.jit(kernel)(*tuple(_d.values())))

</pallas_src>

<mosaic_0001>
#map = affine_map<(d0, d1) -> (0)>
module attributes {stable_mosaic.version = 14 : i64} {
  func.func @_sc_select_body(%arg0: i32, %arg1: i32, %arg2: memref<16384xf32, #tpu.memory_space<hbm>>, %arg3: memref<16xf32, #tpu.memory_space<hbm>>, %arg4: memref<1024xf32, #tpu.memory_space<vmem>>, %arg5: memref<16xf32, #tpu.memory_space<vmem>>, %arg6: memref<73xi32, #tpu.memory_space<smem>>, %arg7: memref<!tpu.dma_semaphore, #tpu.memory_space<semaphore_mem>>) attributes {dimension_semantics = [#tpu.dimension_semantics<core_parallel>, #tpu.dimension_semantics<subcore_parallel>], iteration_bounds = array<i64: 2, 16>, scalar_prefetch = 0 : i64, scratch_operands = 4 : i64, tpu.core_type = #tpu.core_type<sc_vector_subcore>, window_params = [{transform_indices = #map}, {transform_indices = #map}]} {
    %eq3A = arith.constant 0 : i32
    %eq3A_0 = arith.cmpi eq, %arg0, %eq3A : i32
    %convert_element_type3A = arith.extui %eq3A_0 : i1 to i32
    %cond3A = arith.constant 0 : i32
    %cond3A_1 = arith.cmpi ne, %convert_element_type3A, %cond3A : i32
    scf.if %cond3A_1 {
      %mul3A = arith.constant 1024 : i32
      %mul3A_2 = arith.muli %arg1, %mul3A : i32
      "tpu.region"() ({
        %run_scoped3A = tpu.sem_alloc : memref<!tpu.dma_semaphore, #tpu.memory_space<semaphore_mem>>
        %dma_start3A = tpu.memref_slice %arg2[%mul3A_2] : memref<16384xf32, #tpu.memory_space<hbm>> -> memref<1024xf32, #tpu.memory_space<hbm>>
        %dma_start3A_67 = tpu.memref_slice %arg2[%mul3A_2] : memref<16384xf32, #tpu.memory_space<hbm>> -> memref<1024xf32, #tpu.memory_space<hbm>>
        tpu.enqueue_dma source(%dma_start3A_67 : memref<1024xf32, #tpu.memory_space<hbm>>) target(%arg4 : memref<1024xf32, #tpu.memory_space<vmem>>) target_semaphore(%run_scoped3A : memref<!tpu.dma_semaphore, #tpu.memory_space<semaphore_mem>>)
        %dma_wait3A = tpu.memref_slice %arg2[%mul3A_2] : memref<16384xf32, #tpu.memory_space<hbm>> -> memref<1024xf32, #tpu.memory_space<hbm>>
        %dma_wait3A_68 = tpu.memref_slice %arg2[%mul3A_2] : memref<16384xf32, #tpu.memory_space<hbm>> -> memref<1024xf32, #tpu.memory_space<hbm>>
        tpu.wait_dma2 semaphore(%run_scoped3A : memref<!tpu.dma_semaphore, #tpu.memory_space<semaphore_mem>>) src(%dma_wait3A_68 : memref<1024xf32, #tpu.memory_space<hbm>>) dst(%arg4 : memref<1024xf32, #tpu.memory_space<vmem>>)
        tpu.yield
      }) : () -> ()
      %eq3A_3 = arith.constant 0 : i32
      %eq3A_4 = arith.cmpi eq, %arg1, %eq3A_3 : i32
      %convert_element_type3A_5 = arith.extui %eq3A_4 : i1 to i32
      %cond3A_6 = arith.constant 0 : i32
      %cond3A_7 = arith.cmpi ne, %convert_element_type3A_5, %cond3A_6 : i32
      scf.if %cond3A_7 {
        %swap3A = arith.constant 0 : i32
        %swap3A_67 = arith.constant 0 : i32
        %swap3A_68 = arith.index_cast %swap3A_67 : i32 to index
        %swap3A_69 = memref.load %arg6[%swap3A_68] : memref<73xi32, #tpu.memory_space<smem>>
        memref.store %swap3A, %arg6[%swap3A_68] : memref<73xi32, #tpu.memory_space<smem>>
        %swap3A_70 = arith.constant 0 : i32
        %swap3A_71 = arith.constant 1 : i32
        %swap3A_72 = arith.index_cast %swap3A_71 : i32 to index
        %swap3A_73 = memref.load %arg6[%swap3A_72] : memref<73xi32, #tpu.memory_space<smem>>
        memref.store %swap3A_70, %arg6[%swap3A_72] : memref<73xi32, #tpu.memory_space<smem>>
        %swap3A_74 = arith.constant 0 : i32
        %swap3A_75 = arith.constant 2 : i32
        %swap3A_76 = arith.index_cast %swap3A_75 : i32 to index
        %swap3A_77 = memref.load %arg6[%swap3A_76] : memref<73xi32, #tpu.memory_space<smem>>
        memref.store %swap3A_74, %arg6[%swap3A_76] : memref<73xi32, #tpu.memory_space<smem>>
        %swap3A_78 = arith.constant 0 : i32
        %swap3A_79 = arith.constant 3 : i32
        %swap3A_80 = arith.index_cast %swap3A_79 : i32 to index
        %swap3A_81 = memref.load %arg6[%swap3A_80] : memref<73xi32, #tpu.memory_space<smem>>
        memref.store %swap3A_78, %arg6[%swap3A_80] : memref<73xi32, #tpu.memory_space<smem>>
        %swap3A_82 = arith.constant 0 : i32
        %swap3A_83 = arith.constant 4 : i32
        %swap3A_84 = arith.index_cast %swap3A_83 : i32 to index
        %swap3A_85 = memref.load %arg6[%swap3A_84] : memref<73xi32, #tpu.memory_space<smem>>
        memref.store %swap3A_82, %arg6[%swap3A_84] : memref<73xi32, #tpu.memory_space<smem>>
        %swap3A_86 = arith.constant 0 : i32
        %swap3A_87 = arith.constant 5 : i32
        %swap3A_88 = arith.index_cast %swap3A_87 : i32 to index
        %swap3A_89 = memref.load %arg6[%swap3A_88] : memref<73xi32, #tpu.memory_space<smem>>
        memref.store %swap3A_86, %arg6[%swap3A_88] : memref<73xi32, #tpu.memory_space<smem>>
        %swap3A_90 = arith.constant 0 : i32
        %swap3A_91 = arith.constant 6 : i32
        %swap3A_92 = arith.index_cast %swap3A_91 : i32 to index
        %swap3A_93 = memref.load %arg6[%swap3A_92] : memref<73xi32, #tpu.memory_space<smem>>
        memref.store %swap3A_90, %arg6[%swap3A_92] : memref<73xi32, #tpu.memory_space<smem>>
        %swap3A_94 = arith.constant 0 : i32
        %swap3A_95 = arith.constant 7 : i32
        %swap3A_96 = arith.index_cast %swap3A_95 : i32 to index
        %swap3A_97 = memref.load %arg6[%swap3A_96] : memref<73xi32, #tpu.memory_space<smem>>
        memref.store %swap3A_94, %arg6[%swap3A_96] : memref<73xi32, #tpu.memory_space<smem>>
        %swap3A_98 = arith.constant 0 : i32
        %swap3A_99 = arith.constant 8 : i32
        %swap3A_100 = arith.index_cast %swap3A_99 : i32 to index
        %swap3A_101 = memref.load %arg6[%swap3A_100] : memref<73xi32, #tpu.memory_space<smem>>
        memref.store %swap3A_98, %arg6[%swap3A_100] : memref<73xi32, #tpu.memory_space<smem>>
        %swap3A_102 = arith.constant 0 : i32
        %swap3A_103 = arith.constant 9 : i32
        %swap3A_104 = arith.index_cast %swap3A_103 : i32 to index
        %swap3A_105 = memref.load %arg6[%swap3A_104] : memref<73xi32, #tpu.memory_space<smem>>
        memref.store %swap3A_102, %arg6[%swap3A_104] : memref<73xi32, #tpu.memory_space<smem>>
        %swap3A_106 = arith.constant 0 : i32
        %swap3A_107 = arith.constant 10 : i32
        %swap3A_108 = arith.index_cast %swap3A_107 : i32 to index
        %swap3A_109 = memref.load %arg6[%swap3A_108] : memref<73xi32, #tpu.memory_space<smem>>
        memref.store %swap3A_106, %arg6[%swap3A_108] : memref<73xi32, #tpu.memory_space<smem>>
        %swap3A_110 = arith.constant 0 : i32
        %swap3A_111 = arith.constant 11 : i32
        %swap3A_112 = arith.index_cast %swap3A_111 : i32 to index
        %swap3A_113 = memref.load %arg6[%swap3A_112] : memref<73xi32, #tpu.memory_space<smem>>
        memref.store %swap3A_110, %arg6[%swap3A_112] : memref<73xi32, #tpu.memory_space<smem>>
        %swap3A_114 = arith.constant 0 : i32
        %swap3A_115 = arith.constant 12 : i32
        %swap3A_116 = arith.index_cast %swap3A_115 : i32 to index
        %swap3A_117 = memref.load %arg6[%swap3A_116] : memref<73xi32, #tpu.memory_space<smem>>
        memref.store %swap3A_114, %arg6[%swap3A_116] : memref<73xi32, #tpu.memory_space<smem>>
        %swap3A_118 = arith.constant 0 : i32
        %swap3A_119 = arith.constant 13 : i32
        %swap3A_120 = arith.index_cast %swap3A_119 : i32 to index
        %swap3A_121 = memref.load %arg6[%swap3A_120] : memref<73xi32, #tpu.memory_space<smem>>
        memref.store %swap3A_118, %arg6[%swap3A_120] : memref<73xi32, #tpu.memory_space<smem>>
        %swap3A_122 = arith.constant 0 : i32
        %swap3A_123 = arith.constant 14 : i32
        %swap3A_124 = arith.index_cast %swap3A_123 : i32 to index
        %swap3A_125 = memref.load %arg6[%swap3A_124] : memref<73xi32, #tpu.memory_space<smem>>
        memref.store %swap3A_122, %arg6[%swap3A_124] : memref<73xi32, #tpu.memory_space<smem>>
        %swap3A_126 = arith.constant 0 : i32
        %swap3A_127 = arith.constant 15 : i32
        %swap3A_128 = arith.index_cast %swap3A_127 : i32 to index
        %swap3A_129 = memref.load %arg6[%swap3A_128] : memref<73xi32, #tpu.memory_space<smem>>
        memref.store %swap3A_126, %arg6[%swap3A_128] : memref<73xi32, #tpu.memory_space<smem>>
        %swap3A_130 = arith.constant 0 : i32
        %swap3A_131 = arith.constant 16 : i32
        %swap3A_132 = arith.index_cast %swap3A_131 : i32 to index
        %swap3A_133 = memref.load %arg6[%swap3A_132] : memref<73xi32, #tpu.memory_space<smem>>
        memref.store %swap3A_130, %arg6[%swap3A_132] : memref<73xi32, #tpu.memory_space<smem>>
        %swap3A_134 = arith.constant 0 : i32
        %swap3A_135 = arith.constant 17 : i32
        %swap3A_136 = arith.index_cast %swap3A_135 : i32 to index
        %swap3A_137 = memref.load %arg6[%swap3A_136] : memref<73xi32, #tpu.memory_space<smem>>
        memref.store %swap3A_134, %arg6[%swap3A_136] : memref<73xi32, #tpu.memory_space<smem>>
        %swap3A_138 = arith.constant 0 : i32
        %swap3A_139 = arith.constant 18 : i32
        %swap3A_140 = arith.index_cast %swap3A_139 : i32 to index
        %swap3A_141 = memref.load %arg6[%swap3A_140] : memref<73xi32, #tpu.memory_space<smem>>
        memref.store %swap3A_138, %arg6[%swap3A_140] : memref<73xi32, #tpu.memory_space<smem>>
        %swap3A_142 = arith.constant 0 : i32
        %swap3A_143 = arith.constant 19 : i32
        %swap3A_144 = arith.index_cast %swap3A_143 : i32 to index
        %swap3A_145 = memref.load %arg6[%swap3A_144] : memref<73xi32, #tpu.memory_space<smem>>
        memref.store %swap3A_142, %arg6[%swap3A_144] : memref<73xi32, #tpu.memory_space<smem>>
        %swap3A_146 = arith.constant 0 : i32
        %swap3A_147 = arith.constant 20 : i32
        %swap3A_148 = arith.index_cast %swap3A_147 : i32 to index
        %swap3A_149 = memref.load %arg6[%swap3A_148] : memref<73xi32, #tpu.memory_space<smem>>
        memref.store %swap3A_146, %arg6[%swap3A_148] : memref<73xi32, #tpu.memory_space<smem>>
        %swap3A_150 = arith.constant 0 : i32
        %swap3A_151 = arith.constant 21 : i32
        %swap3A_152 = arith.index_cast %swap3A_151 : i32 to index
        %swap3A_153 = memref.load %arg6[%swap3A_152] : memref<73xi32, #tpu.memory_space<smem>>
        memref.store %swap3A_150, %arg6[%swap3A_152] : memref<73xi32, #tpu.memory_space<smem>>
        %swap3A_154 = arith.constant 0 : i32
        %swap3A_155 = arith.constant 22 : i32
        %swap3A_156 = arith.index_cast %swap3A_155 : i32 to index
        %swap3A_157 = memref.load %arg6[%swap3A_156] : memref<73xi32, #tpu.memory_space<smem>>
        memref.store %swap3A_154, %arg6[%swap3A_156] : memref<73xi32, #tpu.memory_space<smem>>
        %swap3A_158 = arith.constant 0 : i32
        %swap3A_159 = arith.constant 23 : i32
        %swap3A_160 = arith.index_cast %swap3A_159 : i32 to index
        %swap3A_161 = memref.load %arg6[%swap3A_160] : memref<73xi32, #tpu.memory_space<smem>>
        memref.store %swap3A_158, %arg6[%swap3A_160] : memref<73xi32, #tpu.memory_space<smem>>
        %swap3A_162 = arith.constant 0 : i32
        %swap3A_163 = arith.constant 24 : i32
        %swap3A_164 = arith.index_cast %swap3A_163 : i32 to index
        %swap3A_165 = memref.load %arg6[%swap3A_164] : memref<73xi32, #tpu.memory_space<smem>>
        memref.store %swap3A_162, %arg6[%swap3A_164] : memref<73xi32, #tpu.memory_space<smem>>
        %swap3A_166 = arith.constant 0 : i32
        %swap3A_167 = arith.constant 25 : i32
        %swap3A_168 = arith.index_cast %swap3A_167 : i32 to index
        %swap3A_169 = memref.load %arg6[%swap3A_168] : memref<73xi32, #tpu.memory_space<smem>>
        memref.store %swap3A_166, %arg6[%swap3A_168] : memref<73xi32, #tpu.memory_space<smem>>
        %swap3A_170 = arith.constant 0 : i32
        %swap3A_171 = arith.constant 26 : i32
        %swap3A_172 = arith.index_cast %swap3A_171 : i32 to index
        %swap3A_173 = memref.load %arg6[%swap3A_172] : memref<73xi32, #tpu.memory_space<smem>>
        memref.store %swap3A_170, %arg6[%swap3A_172] : memref<73xi32, #tpu.memory_space<smem>>
        %swap3A_174 = arith.constant 0 : i32
        %swap3A_175 = arith.constant 27 : i32
        %swap3A_176 = arith.index_cast %swap3A_175 : i32 to index
        %swap3A_177 = memref.load %arg6[%swap3A_176] : memref<73xi32, #tpu.memory_space<smem>>
        memref.store %swap3A_174, %arg6[%swap3A_176] : memref<73xi32, #tpu.memory_space<smem>>
        %swap3A_178 = arith.constant 0 : i32
        %swap3A_179 = arith.constant 28 : i32
        %swap3A_180 = arith.index_cast %swap3A_179 : i32 to index
        %swap3A_181 = memref.load %arg6[%swap3A_180] : memref<73xi32, #tpu.memory_space<smem>>
        memref.store %swap3A_178, %arg6[%swap3A_180] : memref<73xi32, #tpu.memory_space<smem>>
        %swap3A_182 = arith.constant 0 : i32
        %swap3A_183 = arith.constant 29 : i32
        %swap3A_184 = arith.index_cast %swap3A_183 : i32 to index
        %swap3A_185 = memref.load %arg6[%swap3A_184] : memref<73xi32, #tpu.memory_space<smem>>
        memref.store %swap3A_182, %arg6[%swap3A_184] : memref<73xi32, #tpu.memory_space<smem>>
        %swap3A_186 = arith.constant 0 : i32
        %swap3A_187 = arith.constant 30 : i32
        %swap3A_188 = arith.index_cast %swap3A_187 : i32 to index
        %swap3A_189 = memref.load %arg6[%swap3A_188] : memref<73xi32, #tpu.memory_space<smem>>
        memref.store %swap3A_186, %arg6[%swap3A_188] : memref<73xi32, #tpu.memory_space<smem>>
        %swap3A_190 = arith.constant 0 : i32
        %swap3A_191 = arith.constant 31 : i32
        %swap3A_192 = arith.index_cast %swap3A_191 : i32 to index
        %swap3A_193 = memref.load %arg6[%swap3A_192] : memref<73xi32, #tpu.memory_space<smem>>
        memref.store %swap3A_190, %arg6[%swap3A_192] : memref<73xi32, #tpu.memory_space<smem>>
        %swap3A_194 = arith.constant 0 : i32
        %swap3A_195 = arith.constant 32 : i32
        %swap3A_196 = arith.index_cast %swap3A_195 : i32 to index
        %swap3A_197 = memref.load %arg6[%swap3A_196] : memref<73xi32, #tpu.memory_space<smem>>
        memref.store %swap3A_194, %arg6[%swap3A_196] : memref<73xi32, #tpu.memory_space<smem>>
        %swap3A_198 = arith.constant 0 : i32
        %swap3A_199 = arith.constant 33 : i32
        %swap3A_200 = arith.index_cast %swap3A_199 : i32 to index
        %swap3A_201 = memref.load %arg6[%swap3A_200] : memref<73xi32, #tpu.memory_space<smem>>
        memref.store %swap3A_198, %arg6[%swap3A_200] : memref<73xi32, #tpu.memory_space<smem>>
        %swap3A_202 = arith.constant 0 : i32
        %swap3A_203 = arith.constant 34 : i32
        %swap3A_204 = arith.index_cast %swap3A_203 : i32 to index
        %swap3A_205 = memref.load %arg6[%swap3A_204] : memref<73xi32, #tpu.memory_space<smem>>
        memref.store %swap3A_202, %arg6[%swap3A_204] : memref<73xi32, #tpu.memory_space<smem>>
        %swap3A_206 = arith.constant 0 : i32
        %swap3A_207 = arith.constant 35 : i32
        %swap3A_208 = arith.index_cast %swap3A_207 : i32 to index
        %swap3A_209 = memref.load %arg6[%swap3A_208] : memref<73xi32, #tpu.memory_space<smem>>
        memref.store %swap3A_206, %arg6[%swap3A_208] : memref<73xi32, #tpu.memory_space<smem>>
        %swap3A_210 = arith.constant 0 : i32
        %swap3A_211 = arith.constant 36 : i32
        %swap3A_212 = arith.index_cast %swap3A_211 : i32 to index
        %swap3A_213 = memref.load %arg6[%swap3A_212] : memref<73xi32, #tpu.memory_space<smem>>
        memref.store %swap3A_210, %arg6[%swap3A_212] : memref<73xi32, #tpu.memory_space<smem>>
        %swap3A_214 = arith.constant 0 : i32
        %swap3A_215 = arith.constant 37 : i32
        %swap3A_216 = arith.index_cast %swap3A_215 : i32 to index
        %swap3A_217 = memref.load %arg6[%swap3A_216] : memref<73xi32, #tpu.memory_space<smem>>
        memref.store %swap3A_214, %arg6[%swap3A_216] : memref<73xi32, #tpu.memory_space<smem>>
        %swap3A_218 = arith.constant 0 : i32
        %swap3A_219 = arith.constant 38 : i32
        %swap3A_220 = arith.index_cast %swap3A_219 : i32 to index
        %swap3A_221 = memref.load %arg6[%swap3A_220] : memref<73xi32, #tpu.memory_space<smem>>
        memref.store %swap3A_218, %arg6[%swap3A_220] : memref<73xi32, #tpu.memory_space<smem>>
        %swap3A_222 = arith.constant 0 : i32
        %swap3A_223 = arith.constant 39 : i32
        %swap3A_224 = arith.index_cast %swap3A_223 : i32 to index
        %swap3A_225 = memref.load %arg6[%swap3A_224] : memref<73xi32, #tpu.memory_space<smem>>
        memref.store %swap3A_222, %arg6[%swap3A_224] : memref<73xi32, #tpu.memory_space<smem>>
        %swap3A_226 = arith.constant 0 : i32
        %swap3A_227 = arith.constant 40 : i32
        %swap3A_228 = arith.index_cast %swap3A_227 : i32 to index
        %swap3A_229 = memref.load %arg6[%swap3A_228] : memref<73xi32, #tpu.memory_space<smem>>
        memref.store %swap3A_226, %arg6[%swap3A_228] : memref<73xi32, #tpu.memory_space<smem>>
        %swap3A_230 = arith.constant 0 : i32
        %swap3A_231 = arith.constant 41 : i32
        %swap3A_232 = arith.index_cast %swap3A_231 : i32 to index
        %swap3A_233 = memref.load %arg6[%swap3A_232] : memref<73xi32, #tpu.memory_space<smem>>
        memref.store %swap3A_230, %arg6[%swap3A_232] : memref<73xi32, #tpu.memory_space<smem>>
        %swap3A_234 = arith.constant 0 : i32
        %swap3A_235 = arith.constant 42 : i32
        %swap3A_236 = arith.index_cast %swap3A_235 : i32 to index
        %swap3A_237 = memref.load %arg6[%swap3A_236] : memref<73xi32, #tpu.memory_space<smem>>
        memref.store %swap3A_234, %arg6[%swap3A_236] : memref<73xi32, #tpu.memory_space<smem>>
        %swap3A_238 = arith.constant 0 : i32
        %swap3A_239 = arith.constant 43 : i32
        %swap3A_240 = arith.index_cast %swap3A_239 : i32 to index
        %swap3A_241 = memref.load %arg6[%swap3A_240] : memref<73xi32, #tpu.memory_space<smem>>
        memref.store %swap3A_238, %arg6[%swap3A_240] : memref<73xi32, #tpu.memory_space<smem>>
        %swap3A_242 = arith.constant 0 : i32
        %swap3A_243 = arith.constant 44 : i32
        %swap3A_244 = arith.index_cast %swap3A_243 : i32 to index
        %swap3A_245 = memref.load %arg6[%swap3A_244] : memref<73xi32, #tpu.memory_space<smem>>
        memref.store %swap3A_242, %arg6[%swap3A_244] : memref<73xi32, #tpu.memory_space<smem>>
        %swap3A_246 = arith.constant 0 : i32
        %swap3A_247 = arith.constant 45 : i32
        %swap3A_248 = arith.index_cast %swap3A_247 : i32 to index
        %swap3A_249 = memref.load %arg6[%swap3A_248] : memref<73xi32, #tpu.memory_space<smem>>
        memref.store %swap3A_246, %arg6[%swap3A_248] : memref<73xi32, #tpu.memory_space<smem>>
        %swap3A_250 = arith.constant 0 : i32
        %swap3A_251 = arith.constant 46 : i32
        %swap3A_252 = arith.index_cast %swap3A_251 : i32 to index
        %swap3A_253 = memref.load %arg6[%swap3A_252] : memref<73xi32, #tpu.memory_space<smem>>
        memref.store %swap3A_250, %arg6[%swap3A_252] : memref<73xi32, #tpu.memory_space<smem>>
        %swap3A_254 = arith.constant 0 : i32
        %swap3A_255 = arith.constant 47 : i32
        %swap3A_256 = arith.index_cast %swap3A_255 : i32 to index
        %swap3A_257 = memref.load %arg6[%swap3A_256] : memref<73xi32, #tpu.memory_space<smem>>
        memref.store %swap3A_254, %arg6[%swap3A_256] : memref<73xi32, #tpu.memory_space<smem>>
        %swap3A_258 = arith.constant 0 : i32
        %swap3A_259 = arith.constant 48 : i32
        %swap3A_260 = arith.index_cast %swap3A_259 : i32 to index
        %swap3A_261 = memref.load %arg6[%swap3A_260] : memref<73xi32, #tpu.memory_space<smem>>
        memref.store %swap3A_258, %arg6[%swap3A_260] : memref<73xi32, #tpu.memory_space<smem>>
        %swap3A_262 = arith.constant 0 : i32
        %swap3A_263 = arith.constant 49 : i32
        %swap3A_264 = arith.index_cast %swap3A_263 : i32 to index
        %swap3A_265 = memref.load %arg6[%swap3A_264] : memref<73xi32, #tpu.memory_space<smem>>
        memref.store %swap3A_262, %arg6[%swap3A_264] : memref<73xi32, #tpu.memory_space<smem>>
        %swap3A_266 = arith.constant 0 : i32
        %swap3A_267 = arith.constant 50 : i32
        %swap3A_268 = arith.index_cast %swap3A_267 : i32 to index
        %swap3A_269 = memref.load %arg6[%swap3A_268] : memref<73xi32, #tpu.memory_space<smem>>
        memref.store %swap3A_266, %arg6[%swap3A_268] : memref<73xi32, #tpu.memory_space<smem>>
        %swap3A_270 = arith.constant 0 : i32
        %swap3A_271 = arith.constant 51 : i32
        %swap3A_272 = arith.index_cast %swap3A_271 : i32 to index
        %swap3A_273 = memref.load %arg6[%swap3A_272] : memref<73xi32, #tpu.memory_space<smem>>
        memref.store %swap3A_270, %arg6[%swap3A_272] : memref<73xi32, #tpu.memory_space<smem>>
        %swap3A_274 = arith.constant 0 : i32
        %swap3A_275 = arith.constant 52 : i32
        %swap3A_276 = arith.index_cast %swap3A_275 : i32 to index
        %swap3A_277 = memref.load %arg6[%swap3A_276] : memref<73xi32, #tpu.memory_space<smem>>
        memref.store %swap3A_274, %arg6[%swap3A_276] : memref<73xi32, #tpu.memory_space<smem>>
        %swap3A_278 = arith.constant 0 : i32
        %swap3A_279 = arith.constant 53 : i32
        %swap3A_280 = arith.index_cast %swap3A_279 : i32 to index
        %swap3A_281 = memref.load %arg6[%swap3A_280] : memref<73xi32, #tpu.memory_space<smem>>
        memref.store %swap3A_278, %arg6[%swap3A_280] : memref<73xi32, #tpu.memory_space<smem>>
        %swap3A_282 = arith.constant 0 : i32
        %swap3A_283 = arith.constant 54 : i32
        %swap3A_284 = arith.index_cast %swap3A_283 : i32 to index
        %swap3A_285 = memref.load %arg6[%swap3A_284] : memref<73xi32, #tpu.memory_space<smem>>
        memref.store %swap3A_282, %arg6[%swap3A_284] : memref<73xi32, #tpu.memory_space<smem>>
        %swap3A_286 = arith.constant 0 : i32
        %swap3A_287 = arith.constant 55 : i32
        %swap3A_288 = arith.index_cast %swap3A_287 : i32 to index
        %swap3A_289 = memref.load %arg6[%swap3A_288] : memref<73xi32, #tpu.memory_space<smem>>
        memref.store %swap3A_286, %arg6[%swap3A_288] : memref<73xi32, #tpu.memory_space<smem>>
        %swap3A_290 = arith.constant 0 : i32
        %swap3A_291 = arith.constant 56 : i32
        %swap3A_292 = arith.index_cast %swap3A_291 : i32 to index
        %swap3A_293 = memref.load %arg6[%swap3A_292] : memref<73xi32, #tpu.memory_space<smem>>
        memref.store %swap3A_290, %arg6[%swap3A_292] : memref<73xi32, #tpu.memory_space<smem>>
        %swap3A_294 = arith.constant 0 : i32
        %swap3A_295 = arith.constant 57 : i32
        %swap3A_296 = arith.index_cast %swap3A_295 : i32 to index
        %swap3A_297 = memref.load %arg6[%swap3A_296] : memref<73xi32, #tpu.memory_space<smem>>
        memref.store %swap3A_294, %arg6[%swap3A_296] : memref<73xi32, #tpu.memory_space<smem>>
        %swap3A_298 = arith.constant 0 : i32
        %swap3A_299 = arith.constant 58 : i32
        %swap3A_300 = arith.index_cast %swap3A_299 : i32 to index
        %swap3A_301 = memref.load %arg6[%swap3A_300] : memref<73xi32, #tpu.memory_space<smem>>
        memref.store %swap3A_298, %arg6[%swap3A_300] : memref<73xi32, #tpu.memory_space<smem>>
        %swap3A_302 = arith.constant 0 : i32
        %swap3A_303 = arith.constant 59 : i32
        %swap3A_304 = arith.index_cast %swap3A_303 : i32 to index
        %swap3A_305 = memref.load %arg6[%swap3A_304] : memref<73xi32, #tpu.memory_space<smem>>
        memref.store %swap3A_302, %arg6[%swap3A_304] : memref<73xi32, #tpu.memory_space<smem>>
        %swap3A_306 = arith.constant 0 : i32
        %swap3A_307 = arith.constant 60 : i32
        %swap3A_308 = arith.index_cast %swap3A_307 : i32 to index
        %swap3A_309 = memref.load %arg6[%swap3A_308] : memref<73xi32, #tpu.memory_space<smem>>
        memref.store %swap3A_306, %arg6[%swap3A_308] : memref<73xi32, #tpu.memory_space<smem>>
        %swap3A_310 = arith.constant 0 : i32
        %swap3A_311 = arith.constant 61 : i32
        %swap3A_312 = arith.index_cast %swap3A_311 : i32 to index
        %swap3A_313 = memref.load %arg6[%swap3A_312] : memref<73xi32, #tpu.memory_space<smem>>
        memref.store %swap3A_310, %arg6[%swap3A_312] : memref<73xi32, #tpu.memory_space<smem>>
        %swap3A_314 = arith.constant 0 : i32
        %swap3A_315 = arith.constant 62 : i32
        %swap3A_316 = arith.index_cast %swap3A_315 : i32 to index
        %swap3A_317 = memref.load %arg6[%swap3A_316] : memref<73xi32, #tpu.memory_space<smem>>
        memref.store %swap3A_314, %arg6[%swap3A_316] : memref<73xi32, #tpu.memory_space<smem>>
        %swap3A_318 = arith.constant 0 : i32
        %swap3A_319 = arith.constant 63 : i32
        %swap3A_320 = arith.index_cast %swap3A_319 : i32 to index
        %swap3A_321 = memref.load %arg6[%swap3A_320] : memref<73xi32, #tpu.memory_space<smem>>
        memref.store %swap3A_318, %arg6[%swap3A_320] : memref<73xi32, #tpu.memory_space<smem>>
        %swap3A_322 = arith.constant 0 : i32
        %swap3A_323 = arith.constant 64 : i32
        %swap3A_324 = arith.index_cast %swap3A_323 : i32 to index
        %swap3A_325 = memref.load %arg6[%swap3A_324] : memref<73xi32, #tpu.memory_space<smem>>
        memref.store %swap3A_322, %arg6[%swap3A_324] : memref<73xi32, #tpu.memory_space<smem>>
        %swap3A_326 = arith.constant 0 : i32
        %swap3A_327 = arith.constant 65 : i32
        %swap3A_328 = arith.index_cast %swap3A_327 : i32 to index
        %swap3A_329 = memref.load %arg6[%swap3A_328] : memref<73xi32, #tpu.memory_space<smem>>
        memref.store %swap3A_326, %arg6[%swap3A_328] : memref<73xi32, #tpu.memory_space<smem>>
        %swap3A_330 = arith.constant 0 : i32
        %swap3A_331 = arith.constant 66 : i32
        %swap3A_332 = arith.index_cast %swap3A_331 : i32 to index
        %swap3A_333 = memref.load %arg6[%swap3A_332] : memref<73xi32, #tpu.memory_space<smem>>
        memref.store %swap3A_330, %arg6[%swap3A_332] : memref<73xi32, #tpu.memory_space<smem>>
        %swap3A_334 = arith.constant 0 : i32
        %swap3A_335 = arith.constant 67 : i32
        %swap3A_336 = arith.index_cast %swap3A_335 : i32 to index
        %swap3A_337 = memref.load %arg6[%swap3A_336] : memref<73xi32, #tpu.memory_space<smem>>
        memref.store %swap3A_334, %arg6[%swap3A_336] : memref<73xi32, #tpu.memory_space<smem>>
        %swap3A_338 = arith.constant 0 : i32
        %swap3A_339 = arith.constant 68 : i32
        %swap3A_340 = arith.index_cast %swap3A_339 : i32 to index
        %swap3A_341 = memref.load %arg6[%swap3A_340] : memref<73xi32, #tpu.memory_space<smem>>
        memref.store %swap3A_338, %arg6[%swap3A_340] : memref<73xi32, #tpu.memory_space<smem>>
        %swap3A_342 = arith.constant 0 : i32
        %swap3A_343 = arith.constant 69 : i32
        %swap3A_344 = arith.index_cast %swap3A_343 : i32 to index
        %swap3A_345 = memref.load %arg6[%swap3A_344] : memref<73xi32, #tpu.memory_space<smem>>
        memref.store %swap3A_342, %arg6[%swap3A_344] : memref<73xi32, #tpu.memory_space<smem>>
        %swap3A_346 = arith.constant 0 : i32
        %swap3A_347 = arith.constant 70 : i32
        %swap3A_348 = arith.index_cast %swap3A_347 : i32 to index
        %swap3A_349 = memref.load %arg6[%swap3A_348] : memref<73xi32, #tpu.memory_space<smem>>
        memref.store %swap3A_346, %arg6[%swap3A_348] : memref<73xi32, #tpu.memory_space<smem>>
        %swap3A_350 = arith.constant 0 : i32
        %swap3A_351 = arith.constant 71 : i32
        %swap3A_352 = arith.index_cast %swap3A_351 : i32 to index
        %swap3A_353 = memref.load %arg6[%swap3A_352] : memref<73xi32, #tpu.memory_space<smem>>
        memref.store %swap3A_350, %arg6[%swap3A_352] : memref<73xi32, #tpu.memory_space<smem>>
        %swap3A_354 = arith.constant 0 : i32
        %swap3A_355 = arith.constant 72 : i32
        %swap3A_356 = arith.index_cast %swap3A_355 : i32 to index
        %swap3A_357 = memref.load %arg6[%swap3A_356] : memref<73xi32, #tpu.memory_space<smem>>
        memref.store %swap3A_354, %arg6[%swap3A_356] : memref<73xi32, #tpu.memory_space<smem>>
      } else {
      }
      %barrier3A = arith.constant 0 : index
      tpu.barrier barrier_id(%barrier3A)
      %scan3A = arith.constant 0 : i32
      %scan3A_8 = arith.constant 0 : i32
      %scan3A_9 = arith.constant 10 : i32
      %scan3A_10 = arith.addi %scan3A_8, %scan3A_9 : i32
      %scan3A_11 = arith.constant 1 : i32
      %scan3A_12 = scf.for %scan3A_67 = %scan3A_8 to %scan3A_10 step %scan3A_11 iter_args(%scan3A_68 = %scan3A) -> (i32)  : i32 {
        %mul3A_69 = arith.constant 3 : i32
        %mul3A_70 = arith.muli %mul3A_69, %scan3A_67 : i32
        %sub3A = arith.constant 28 : i32
        %sub3A_71 = arith.subi %sub3A, %mul3A_70 : i32
        %shift_left3A = arith.constant 1 : i32
        %shift_left3A_72 = arith.shli %shift_left3A, %sub3A_71 : i32
        %or3A_73 = arith.ori %scan3A_68, %shift_left3A_72 : i32
        %shift_left3A_74 = arith.constant 2 : i32
        %shift_left3A_75 = arith.shli %shift_left3A_74, %sub3A_71 : i32
        %or3A_76 = arith.ori %scan3A_68, %shift_left3A_75 : i32
        %shift_left3A_77 = arith.constant 3 : i32
        %shift_left3A_78 = arith.shli %shift_left3A_77, %sub3A_71 : i32
        %or3A_79 = arith.ori %scan3A_68, %shift_left3A_78 : i32
        %shift_left3A_80 = arith.constant 4 : i32
        %shift_left3A_81 = arith.shli %shift_left3A_80, %sub3A_71 : i32
        %or3A_82 = arith.ori %scan3A_68, %shift_left3A_81 : i32
        %shift_left3A_83 = arith.constant 5 : i32
        %shift_left3A_84 = arith.shli %shift_left3A_83, %sub3A_71 : i32
        %or3A_85 = arith.ori %scan3A_68, %shift_left3A_84 : i32
        %shift_left3A_86 = arith.constant 6 : i32
        %shift_left3A_87 = arith.shli %shift_left3A_86, %sub3A_71 : i32
        %or3A_88 = arith.ori %scan3A_68, %shift_left3A_87 : i32
        %shift_left3A_89 = arith.constant 7 : i32
        %shift_left3A_90 = arith.shli %shift_left3A_89, %sub3A_71 : i32
        %or3A_91 = arith.ori %scan3A_68, %shift_left3A_90 : i32
        %broadcast_in_dim3A_92 = arith.constant 0 : i32
        %broadcast_in_dim3A_93 = vector.broadcast %broadcast_in_dim3A_92 : i32 to vector<16xi32>
        %broadcast_in_dim3A_94 = arith.constant 0 : i32
        %broadcast_in_dim3A_95 = vector.broadcast %broadcast_in_dim3A_94 : i32 to vector<16xi32>
        %broadcast_in_dim3A_96 = arith.constant 0 : i32
        %broadcast_in_dim3A_97 = vector.broadcast %broadcast_in_dim3A_96 : i32 to vector<16xi32>
        %broadcast_in_dim3A_98 = arith.constant 0 : i32
        %broadcast_in_dim3A_99 = vector.broadcast %broadcast_in_dim3A_98 : i32 to vector<16xi32>
        %broadcast_in_dim3A_100 = arith.constant 0 : i32
        %broadcast_in_dim3A_101 = vector.broadcast %broadcast_in_dim3A_100 : i32 to vector<16xi32>
        %broadcast_in_dim3A_102 = arith.constant 0 : i32
        %broadcast_in_dim3A_103 = vector.broadcast %broadcast_in_dim3A_102 : i32 to vector<16xi32>
        %broadcast_in_dim3A_104 = arith.constant 0 : i32
        %broadcast_in_dim3A_105 = vector.broadcast %broadcast_in_dim3A_104 : i32 to vector<16xi32>
        %scan3A_106 = arith.constant 0 : i32
        %scan3A_107 = arith.constant 64 : i32
        %scan3A_108 = arith.addi %scan3A_106, %scan3A_107 : i32
        %scan3A_109 = arith.constant 1 : i32
        %scan3A_110:7 = scf.for %scan3A_250 = %scan3A_106 to %scan3A_108 step %scan3A_109 iter_args(%scan3A_251 = %broadcast_in_dim3A_93, %scan3A_252 = %broadcast_in_dim3A_95, %scan3A_253 = %broadcast_in_dim3A_97, %scan3A_254 = %broadcast_in_dim3A_99, %scan3A_255 = %broadcast_in_dim3A_101, %scan3A_256 = %broadcast_in_dim3A_103, %scan3A_257 = %broadcast_in_dim3A_105) -> (vector<16xi32>, vector<16xi32>, vector<16xi32>, vector<16xi32>, vector<16xi32>, vector<16xi32>, vector<16xi32>)  : i32 {
          %mul3A_258 = arith.constant 16 : i32
          %mul3A_259 = arith.muli %scan3A_250, %mul3A_258 : i32
          %get3A = arith.index_cast %mul3A_259 : i32 to index
          %get3A_260 = tpu.vector_load %arg4[%get3A] {strides = array<i32>} : memref<1024xf32, #tpu.memory_space<vmem>>, vector<16xf32>,
          %bitcast_convert_type3A_261 = tpu.bitcast %get3A_260 : vector<16xf32> -> vector<16xi32>
          %ge3A_262 = vector.broadcast %or3A_73 : i32 to vector<16xi32>
          %ge3A_263 = arith.cmpi sge, %bitcast_convert_type3A_261, %ge3A_262 : vector<16xi32>
          %jit3A_264 = arith.constant 1 : i32
          %jit3A_265 = arith.constant 0 : i32
          %broadcast_in_dim3A_266 = vector.broadcast %jit3A_264 : i32 to vector<16xi32>
          %broadcast_in_dim3A_267 = vector.broadcast %jit3A_265 : i32 to vector<16xi32>
          %select_n3A_268 = arith.select %ge3A_263, %broadcast_in_dim3A_266, %broadcast_in_dim3A_267 : vector<16xi1>, vector<16xi32>
          %add3A_269 = arith.addi %scan3A_251, %select_n3A_268 : vector<16xi32>
          %ge3A_270 = vector.broadcast %or3A_76 : i32 to vector<16xi32>
          %ge3A_271 = arith.cmpi sge, %bitcast_convert_type3A_261, %ge3A_270 : vector<16xi32>
          %jit3A_272 = arith.constant 1 : i32
          %jit3A_273 = arith.constant 0 : i32
          %broadcast_in_dim3A_274 = vector.broadcast %jit3A_272 : i32 to vector<16xi32>
          %broadcast_in_dim3A_275 = vector.broadcast %jit3A_273 : i32 to vector<16xi32>
          %select_n3A_276 = arith.select %ge3A_271, %broadcast_in_dim3A_274, %broadcast_in_dim3A_275 : vector<16xi1>, vector<16xi32>
          %add3A_277 = arith.addi %scan3A_252, %select_n3A_276 : vector<16xi32>
          %ge3A_278 = vector.broadcast %or3A_79 : i32 to vector<16xi32>
          %ge3A_279 = arith.cmpi sge, %bitcast_convert_type3A_261, %ge3A_278 : vector<16xi32>
          %jit3A_280 = arith.constant 1 : i32
          %jit3A_281 = arith.constant 0 : i32
          %broadcast_in_dim3A_282 = vector.broadcast %jit3A_280 : i32 to vector<16xi32>
          %broadcast_in_dim3A_283 = vector.broadcast %jit3A_281 : i32 to vector<16xi32>
          %select_n3A_284 = arith.select %ge3A_279, %broadcast_in_dim3A_282, %broadcast_in_dim3A_283 : vector<16xi1>, vector<16xi32>
          %add3A_285 = arith.addi %scan3A_253, %select_n3A_284 : vector<16xi32>
          %ge3A_286 = vector.broadcast %or3A_82 : i32 to vector<16xi32>
          %ge3A_287 = arith.cmpi sge, %bitcast_convert_type3A_261, %ge3A_286 : vector<16xi32>
          %jit3A_288 = arith.constant 1 : i32
          %jit3A_289 = arith.constant 0 : i32
          %broadcast_in_dim3A_290 = vector.broadcast %jit3A_288 : i32 to vector<16xi32>
          %broadcast_in_dim3A_291 = vector.broadcast %jit3A_289 : i32 to vector<16xi32>
          %select_n3A_292 = arith.select %ge3A_287, %broadcast_in_dim3A_290, %broadcast_in_dim3A_291 : vector<16xi1>, vector<16xi32>
          %add3A_293 = arith.addi %scan3A_254, %select_n3A_292 : vector<16xi32>
          %ge3A_294 = vector.broadcast %or3A_85 : i32 to vector<16xi32>
          %ge3A_295 = arith.cmpi sge, %bitcast_convert_type3A_261, %ge3A_294 : vector<16xi32>
          %jit3A_296 = arith.constant 1 : i32
          %jit3A_297 = arith.constant 0 : i32
          %broadcast_in_dim3A_298 = vector.broadcast %jit3A_296 : i32 to vector<16xi32>
          %broadcast_in_dim3A_299 = vector.broadcast %jit3A_297 : i32 to vector<16xi32>
          %select_n3A_300 = arith.select %ge3A_295, %broadcast_in_dim3A_298, %broadcast_in_dim3A_299 : vector<16xi1>, vector<16xi32>
          %add3A_301 = arith.addi %scan3A_255, %select_n3A_300 : vector<16xi32>
          %ge3A_302 = vector.broadcast %or3A_88 : i32 to vector<16xi32>
          %ge3A_303 = arith.cmpi sge, %bitcast_convert_type3A_261, %ge3A_302 : vector<16xi32>
          %jit3A_304 = arith.constant 1 : i32
          %jit3A_305 = arith.constant 0 : i32
          %broadcast_in_dim3A_306 = vector.broadcast %jit3A_304 : i32 to vector<16xi32>
          %broadcast_in_dim3A_307 = vector.broadcast %jit3A_305 : i32 to vector<16xi32>
          %select_n3A_308 = arith.select %ge3A_303, %broadcast_in_dim3A_306, %broadcast_in_dim3A_307 : vector<16xi1>, vector<16xi32>
          %add3A_309 = arith.addi %scan3A_256, %select_n3A_308 : vector<16xi32>
          %ge3A_310 = vector.broadcast %or3A_91 : i32 to vector<16xi32>
          %ge3A_311 = arith.cmpi sge, %bitcast_convert_type3A_261, %ge3A_310 : vector<16xi32>
          %jit3A_312 = arith.constant 1 : i32
          %jit3A_313 = arith.constant 0 : i32
          %broadcast_in_dim3A_314 = vector.broadcast %jit3A_312 : i32 to vector<16xi32>
          %broadcast_in_dim3A_315 = vector.broadcast %jit3A_313 : i32 to vector<16xi32>
          %select_n3A_316 = arith.select %ge3A_311, %broadcast_in_dim3A_314, %broadcast_in_dim3A_315 : vector<16xi1>, vector<16xi32>
          %add3A_317 = arith.addi %scan3A_257, %select_n3A_316 : vector<16xi32>
          scf.yield %add3A_269, %add3A_277, %add3A_285, %add3A_293, %add3A_301, %add3A_309, %add3A_317 : vector<16xi32>, vector<16xi32>, vector<16xi32>, vector<16xi32>, vector<16xi32>, vector<16xi32>, vector<16xi32>
        }
        %scan3A_111 = arith.constant 64 : i32
        %mul3A_112 = arith.constant 7 : i32
        %mul3A_113 = arith.muli %mul3A_112, %scan3A_67 : i32
        %add3A_114 = arith.constant 0 : i32
        %add3A_115 = arith.addi %mul3A_113, %add3A_114 : i32
        %reduce_sum3A_116 = arith.constant true
        %reduce_sum3A_117 = vector.broadcast %reduce_sum3A_116 : i1 to vector<16xi1>
        %reduce_sum3A_118 = tpu.scan <sum>, %scan3A_110#0 masked %reduce_sum3A_117 : vector<16xi32>, vector<16xi1> -> vector<16xi32>
        %reduce_sum3A_119 = vector.extract %reduce_sum3A_118[15] : i32 from vector<16xi32>
        %sc_fetch_and_add3A_120 = arith.constant 0 : i32
        %sc_fetch_and_add3A_121 = tpu.fetch_and_add_sync %arg6[%add3A_115], %reduce_sum3A_119, %sc_fetch_and_add3A_120 : memref<73xi32, #tpu.memory_space<smem>>, i32 -> i32
        %add3A_122 = arith.constant 1 : i32
        %add3A_123 = arith.addi %mul3A_113, %add3A_122 : i32
        %reduce_sum3A_124 = arith.constant true
        %reduce_sum3A_125 = vector.broadcast %reduce_sum3A_124 : i1 to vector<16xi1>
        %reduce_sum3A_126 = tpu.scan <sum>, %scan3A_110#1 masked %reduce_sum3A_125 : vector<16xi32>, vector<16xi1> -> vector<16xi32>
        %reduce_sum3A_127 = vector.extract %reduce_sum3A_126[15] : i32 from vector<16xi32>
        %sc_fetch_and_add3A_128 = arith.constant 0 : i32
        %sc_fetch_and_add3A_129 = tpu.fetch_and_add_sync %arg6[%add3A_123], %reduce_sum3A_127, %sc_fetch_and_add3A_128 : memref<73xi32, #tpu.memory_space<smem>>, i32 -> i32
        %add3A_130 = arith.constant 2 : i32
        %add3A_131 = arith.addi %mul3A_113, %add3A_130 : i32
        %reduce_sum3A_132 = arith.constant true
        %reduce_sum3A_133 = vector.broadcast %reduce_sum3A_132 : i1 to vector<16xi1>
        %reduce_sum3A_134 = tpu.scan <sum>, %scan3A_110#2 masked %reduce_sum3A_133 : vector<16xi32>, vector<16xi1> -> vector<16xi32>
        %reduce_sum3A_135 = vector.extract %reduce_sum3A_134[15] : i32 from vector<16xi32>
        %sc_fetch_and_add3A_136 = arith.constant 0 : i32
        %sc_fetch_and_add3A_137 = tpu.fetch_and_add_sync %arg6[%add3A_131], %reduce_sum3A_135, %sc_fetch_and_add3A_136 : memref<73xi32, #tpu.memory_space<smem>>, i32 -> i32
        %add3A_138 = arith.constant 3 : i32
        %add3A_139 = arith.addi %mul3A_113, %add3A_138 : i32
        %reduce_sum3A_140 = arith.constant true
        %reduce_sum3A_141 = vector.broadcast %reduce_sum3A_140 : i1 to vector<16xi1>
        %reduce_sum3A_142 = tpu.scan <sum>, %scan3A_110#3 masked %reduce_sum3A_141 : vector<16xi32>, vector<16xi1> -> vector<16xi32>
        %reduce_sum3A_143 = vector.extract %reduce_sum3A_142[15] : i32 from vector<16xi32>
        %sc_fetch_and_add3A_144 = arith.constant 0 : i32
        %sc_fetch_and_add3A_145 = tpu.fetch_and_add_sync %arg6[%add3A_139], %reduce_sum3A_143, %sc_fetch_and_add3A_144 : memref<73xi32, #tpu.memory_space<smem>>, i32 -> i32
        %add3A_146 = arith.constant 4 : i32
        %add3A_147 = arith.addi %mul3A_113, %add3A_146 : i32
        %reduce_sum3A_148 = arith.constant true
        %reduce_sum3A_149 = vector.broadcast %reduce_sum3A_148 : i1 to vector<16xi1>
        %reduce_sum3A_150 = tpu.scan <sum>, %scan3A_110#4 masked %reduce_sum3A_149 : vector<16xi32>, vector<16xi1> -> vector<16xi32>
        %reduce_sum3A_151 = vector.extract %reduce_sum3A_150[15] : i32 from vector<16xi32>
        %sc_fetch_and_add3A_152 = arith.constant 0 : i32
        %sc_fetch_and_add3A_153 = tpu.fetch_and_add_sync %arg6[%add3A_147], %reduce_sum3A_151, %sc_fetch_and_add3A_152 : memref<73xi32, #tpu.memory_space<smem>>, i32 -> i32
        %add3A_154 = arith.constant 5 : i32
        %add3A_155 = arith.addi %mul3A_113, %add3A_154 : i32
        %reduce_sum3A_156 = arith.constant true
        %reduce_sum3A_157 = vector.broadcast %reduce_sum3A_156 : i1 to vector<16xi1>
        %reduce_sum3A_158 = tpu.scan <sum>, %scan3A_110#5 masked %reduce_sum3A_157 : vector<16xi32>, vector<16xi1> -> vector<16xi32>
        %reduce_sum3A_159 = vector.extract %reduce_sum3A_158[15] : i32 from vector<16xi32>
        %sc_fetch_and_add3A_160 = arith.constant 0 : i32
        %sc_fetch_and_add3A_161 = tpu.fetch_and_add_sync %arg6[%add3A_155], %reduce_sum3A_159, %sc_fetch_and_add3A_160 : memref<73xi32, #tpu.memory_space<smem>>, i32 -> i32
        %add3A_162 = arith.constant 6 : i32
        %add3A_163 = arith.addi %mul3A_113, %add3A_162 : i32
        %reduce_sum3A_164 = arith.constant true
        %reduce_sum3A_165 = vector.broadcast %reduce_sum3A_164 : i1 to vector<16xi1>
        %reduce_sum3A_166 = tpu.scan <sum>, %scan3A_110#6 masked %reduce_sum3A_165 : vector<16xi32>, vector<16xi1> -> vector<16xi32>
        %reduce_sum3A_167 = vector.extract %reduce_sum3A_166[15] : i32 from vector<16xi32>
        %sc_fetch_and_add3A_168 = arith.constant 0 : i32
        %sc_fetch_and_add3A_169 = tpu.fetch_and_add_sync %arg6[%add3A_163], %reduce_sum3A_167, %sc_fetch_and_add3A_168 : memref<73xi32, #tpu.memory_space<smem>>, i32 -> i32
        %barrier3A_170 = arith.constant 0 : index
        tpu.barrier barrier_id(%barrier3A_170)
        %add3A_171 = arith.constant 0 : i32
        %add3A_172 = arith.addi %mul3A_113, %add3A_171 : i32
        %sc_fetch_and_add3A_173 = arith.constant 0 : i32
        %sc_fetch_and_add3A_174 = arith.constant 0 : i32
        %sc_fetch_and_add3A_175 = tpu.fetch_and_add_sync %arg6[%add3A_172], %sc_fetch_and_add3A_173, %sc_fetch_and_add3A_174 : memref<73xi32, #tpu.memory_space<smem>>, i32 -> i32
        %ge3A_176 = arith.constant 4096 : i32
        %ge3A_177 = arith.cmpi sge, %sc_fetch_and_add3A_175, %ge3A_176 : i32
        %jit3A = arith.constant 1 : i32
        %jit3A_178 = arith.constant 0 : i32
        %select_n3A_179 = arith.select %ge3A_177, %jit3A, %jit3A_178 : i32
        %add3A_180 = arith.constant 0 : i32
        %add3A_181 = arith.addi %add3A_180, %select_n3A_179 : i32
        %add3A_182 = arith.constant 1 : i32
        %add3A_183 = arith.addi %mul3A_113, %add3A_182 : i32
        %sc_fetch_and_add3A_184 = arith.constant 0 : i32
        %sc_fetch_and_add3A_185 = arith.constant 0 : i32
        %sc_fetch_and_add3A_186 = tpu.fetch_and_add_sync %arg6[%add3A_183], %sc_fetch_and_add3A_184, %sc_fetch_and_add3A_185 : memref<73xi32, #tpu.memory_space<smem>>, i32 -> i32
        %ge3A_187 = arith.constant 4096 : i32
        %ge3A_188 = arith.cmpi sge, %sc_fetch_and_add3A_186, %ge3A_187 : i32
        %jit3A_189 = arith.constant 1 : i32
        %jit3A_190 = arith.constant 0 : i32
        %select_n3A_191 = arith.select %ge3A_188, %jit3A_189, %jit3A_190 : i32
        %add3A_192 = arith.addi %add3A_181, %select_n3A_191 : i32
        %add3A_193 = arith.constant 2 : i32
        %add3A_194 = arith.addi %mul3A_113, %add3A_193 : i32
        %sc_fetch_and_add3A_195 = arith.constant 0 : i32
        %sc_fetch_and_add3A_196 = arith.constant 0 : i32
        %sc_fetch_and_add3A_197 = tpu.fetch_and_add_sync %arg6[%add3A_194], %sc_fetch_and_add3A_195, %sc_fetch_and_add3A_196 : memref<73xi32, #tpu.memory_space<smem>>, i32 -> i32
        %ge3A_198 = arith.constant 4096 : i32
        %ge3A_199 = arith.cmpi sge, %sc_fetch_and_add3A_197, %ge3A_198 : i32
        %jit3A_200 = arith.constant 1 : i32
        %jit3A_201 = arith.constant 0 : i32
        %select_n3A_202 = arith.select %ge3A_199, %jit3A_200, %jit3A_201 : i32
        %add3A_203 = arith.addi %add3A_192, %select_n3A_202 : i32
        %add3A_204 = arith.constant 3 : i32
        %add3A_205 = arith.addi %mul3A_113, %add3A_204 : i32
        %sc_fetch_and_add3A_206 = arith.constant 0 : i32
        %sc_fetch_and_add3A_207 = arith.constant 0 : i32
        %sc_fetch_and_add3A_208 = tpu.fetch_and_add_sync %arg6[%add3A_205], %sc_fetch_and_add3A_206, %sc_fetch_and_add3A_207 : memref<73xi32, #tpu.memory_space<smem>>, i32 -> i32
        %ge3A_209 = arith.constant 4096 : i32
        %ge3A_210 = arith.cmpi sge, %sc_fetch_and_add3A_208, %ge3A_209 : i32
        %jit3A_211 = arith.constant 1 : i32
        %jit3A_212 = arith.constant 0 : i32
        %select_n3A_213 = arith.select %ge3A_210, %jit3A_211, %jit3A_212 : i32
        %add3A_214 = arith.addi %add3A_203, %select_n3A_213 : i32
        %add3A_215 = arith.constant 4 : i32
        %add3A_216 = arith.addi %mul3A_113, %add3A_215 : i32
        %sc_fetch_and_add3A_217 = arith.constant 0 : i32
        %sc_fetch_and_add3A_218 = arith.constant 0 : i32
        %sc_fetch_and_add3A_219 = tpu.fetch_and_add_sync %arg6[%add3A_216], %sc_fetch_and_add3A_217, %sc_fetch_and_add3A_218 : memref<73xi32, #tpu.memory_space<smem>>, i32 -> i32
        %ge3A_220 = arith.constant 4096 : i32
        %ge3A_221 = arith.cmpi sge, %sc_fetch_and_add3A_219, %ge3A_220 : i32
        %jit3A_222 = arith.constant 1 : i32
        %jit3A_223 = arith.constant 0 : i32
        %select_n3A_224 = arith.select %ge3A_221, %jit3A_222, %jit3A_223 : i32
        %add3A_225 = arith.addi %add3A_214, %select_n3A_224 : i32
        %add3A_226 = arith.constant 5 : i32
        %add3A_227 = arith.addi %mul3A_113, %add3A_226 : i32
        %sc_fetch_and_add3A_228 = arith.constant 0 : i32
        %sc_fetch_and_add3A_229 = arith.constant 0 : i32
        %sc_fetch_and_add3A_230 = tpu.fetch_and_add_sync %arg6[%add3A_227], %sc_fetch_and_add3A_228, %sc_fetch_and_add3A_229 : memref<73xi32, #tpu.memory_space<smem>>, i32 -> i32
        %ge3A_231 = arith.constant 4096 : i32
        %ge3A_232 = arith.cmpi sge, %sc_fetch_and_add3A_230, %ge3A_231 : i32
        %jit3A_233 = arith.constant 1 : i32
        %jit3A_234 = arith.constant 0 : i32
        %select_n3A_235 = arith.select %ge3A_232, %jit3A_233, %jit3A_234 : i32
        %add3A_236 = arith.addi %add3A_225, %select_n3A_235 : i32
        %add3A_237 = arith.constant 6 : i32
        %add3A_238 = arith.addi %mul3A_113, %add3A_237 : i32
        %sc_fetch_and_add3A_239 = arith.constant 0 : i32
        %sc_fetch_and_add3A_240 = arith.constant 0 : i32
        %sc_fetch_and_add3A_241 = tpu.fetch_and_add_sync %arg6[%add3A_238], %sc_fetch_and_add3A_239, %sc_fetch_and_add3A_240 : memref<73xi32, #tpu.memory_space<smem>>, i32 -> i32
        %ge3A_242 = arith.constant 4096 : i32
        %ge3A_243 = arith.cmpi sge, %sc_fetch_and_add3A_241, %ge3A_242 : i32
        %jit3A_244 = arith.constant 1 : i32
        %jit3A_245 = arith.constant 0 : i32
        %select_n3A_246 = arith.select %ge3A_243, %jit3A_244, %jit3A_245 : i32
        %add3A_247 = arith.addi %add3A_236, %select_n3A_246 : i32
        %shift_left3A_248 = arith.shli %add3A_247, %sub3A_71 : i32
        %or3A_249 = arith.ori %scan3A_68, %shift_left3A_248 : i32
        scf.yield %or3A_249 : i32
      }
      %scan3A_13 = arith.constant 10 : i32
      %or3A = arith.constant 1 : i32
      %or3A_14 = arith.ori %scan3A_12, %or3A : i32
      %broadcast_in_dim3A = arith.constant 0 : i32
      %broadcast_in_dim3A_15 = vector.broadcast %broadcast_in_dim3A : i32 to vector<16xi32>
      %scan3A_16 = arith.constant 0 : i32
      %scan3A_17 = arith.constant 64 : i32
      %scan3A_18 = arith.addi %scan3A_16, %scan3A_17 : i32
      %scan3A_19 = arith.constant 1 : i32
      %scan3A_20 = scf.for %scan3A_67 = %scan3A_16 to %scan3A_18 step %scan3A_19 iter_args(%scan3A_68 = %broadcast_in_dim3A_15) -> (vector<16xi32>)  : i32 {
        %mul3A_69 = arith.constant 16 : i32
        %mul3A_70 = arith.muli %scan3A_67, %mul3A_69 : i32
        %get3A = arith.index_cast %mul3A_70 : i32 to index
        %get3A_71 = tpu.vector_load %arg4[%get3A] {strides = array<i32>} : memref<1024xf32, #tpu.memory_space<vmem>>, vector<16xf32>,
        %bitcast_convert_type3A_72 = tpu.bitcast %get3A_71 : vector<16xf32> -> vector<16xi32>
        %ge3A_73 = vector.broadcast %or3A_14 : i32 to vector<16xi32>
        %ge3A_74 = arith.cmpi sge, %bitcast_convert_type3A_72, %ge3A_73 : vector<16xi32>
        %jit3A = arith.constant 1 : i32
        %jit3A_75 = arith.constant 0 : i32
        %broadcast_in_dim3A_76 = vector.broadcast %jit3A : i32 to vector<16xi32>
        %broadcast_in_dim3A_77 = vector.broadcast %jit3A_75 : i32 to vector<16xi32>
        %select_n3A_78 = arith.select %ge3A_74, %broadcast_in_dim3A_76, %broadcast_in_dim3A_77 : vector<16xi1>, vector<16xi32>
        %add3A_79 = arith.addi %scan3A_68, %select_n3A_78 : vector<16xi32>
        scf.yield %add3A_79 : vector<16xi32>
      }
      %scan3A_21 = arith.constant 64 : i32
      %reduce_sum3A = arith.constant true
      %reduce_sum3A_22 = vector.broadcast %reduce_sum3A : i1 to vector<16xi1>
      %reduce_sum3A_23 = tpu.scan <sum>, %scan3A_20 masked %reduce_sum3A_22 : vector<16xi32>, vector<16xi1> -> vector<16xi32>
      %reduce_sum3A_24 = vector.extract %reduce_sum3A_23[15] : i32 from vector<16xi32>
      %sc_fetch_and_add3A = arith.constant 70 : i32
      %sc_fetch_and_add3A_25 = arith.constant 0 : i32
      %sc_fetch_and_add3A_26 = tpu.fetch_and_add_sync %arg6[%sc_fetch_and_add3A], %reduce_sum3A_24, %sc_fetch_and_add3A_25 : memref<73xi32, #tpu.memory_space<smem>>, i32 -> i32
      %barrier3A_27 = arith.constant 0 : index
      tpu.barrier barrier_id(%barrier3A_27)
      %sc_fetch_and_add3A_28 = arith.constant 0 : i32
      %sc_fetch_and_add3A_29 = arith.constant 70 : i32
      %sc_fetch_and_add3A_30 = arith.constant 0 : i32
      %sc_fetch_and_add3A_31 = tpu.fetch_and_add_sync %arg6[%sc_fetch_and_add3A_29], %sc_fetch_and_add3A_28, %sc_fetch_and_add3A_30 : memref<73xi32, #tpu.memory_space<smem>>, i32 -> i32
      %ge3A = arith.constant 4096 : i32
      %ge3A_32 = arith.cmpi sge, %sc_fetch_and_add3A_31, %ge3A : i32
      %select_n3A = arith.select %ge3A_32, %or3A_14, %scan3A_12 : i32
      %bitcast_convert_type3A = arith.bitcast %select_n3A : i32 to f32
      %broadcast_in_dim3A_33 = arith.constant 0.000000e+00 : f32
      %broadcast_in_dim3A_34 = vector.broadcast %broadcast_in_dim3A_33 : f32 to vector<16xf32>
      %broadcast_in_dim3A_35 = arith.constant 0 : i32
      %broadcast_in_dim3A_36 = vector.broadcast %broadcast_in_dim3A_35 : i32 to vector<16xi32>
      %scan3A_37 = arith.constant 0 : i32
      %scan3A_38 = arith.constant 64 : i32
      %scan3A_39 = arith.addi %scan3A_37, %scan3A_38 : i32
      %scan3A_40 = arith.constant 1 : i32
      %scan3A_41:2 = scf.for %scan3A_67 = %scan3A_37 to %scan3A_39 step %scan3A_40 iter_args(%scan3A_68 = %broadcast_in_dim3A_34, %scan3A_69 = %broadcast_in_dim3A_36) -> (vector<16xf32>, vector<16xi32>)  : i32 {
        %mul3A_70 = arith.constant 16 : i32
        %mul3A_71 = arith.muli %scan3A_67, %mul3A_70 : i32
        %get3A = arith.index_cast %mul3A_71 : i32 to index
        %get3A_72 = tpu.vector_load %arg4[%get3A] {strides = array<i32>} : memref<1024xf32, #tpu.memory_space<vmem>>, vector<16xf32>,
        %bitcast_convert_type3A_73 = tpu.bitcast %get3A_72 : vector<16xf32> -> vector<16xi32>
        %gt3A = vector.broadcast %select_n3A : i32 to vector<16xi32>
        %gt3A_74 = arith.cmpi sgt, %bitcast_convert_type3A_73, %gt3A : vector<16xi32>
        %jit3A = arith.constant 0.000000e+00 : f32
        %broadcast_in_dim3A_75 = vector.broadcast %jit3A : f32 to vector<16xf32>
        %select_n3A_76 = arith.select %gt3A_74, %get3A_72, %broadcast_in_dim3A_75 : vector<16xi1>, vector<16xf32>
        %add3A_77 = arith.addf %scan3A_68, %select_n3A_76 : vector<16xf32>
        %jit3A_78 = arith.constant 1 : i32
        %jit3A_79 = arith.constant 0 : i32
        %broadcast_in_dim3A_80 = vector.broadcast %jit3A_78 : i32 to vector<16xi32>
        %broadcast_in_dim3A_81 = vector.broadcast %jit3A_79 : i32 to vector<16xi32>
        %select_n3A_82 = arith.select %gt3A_74, %broadcast_in_dim3A_80, %broadcast_in_dim3A_81 : vector<16xi1>, vector<16xi32>
        %add3A_83 = arith.addi %scan3A_69, %select_n3A_82 : vector<16xi32>
        scf.yield %add3A_77, %add3A_83 : vector<16xf32>, vector<16xi32>
      }
      %scan3A_42 = arith.constant 64 : i32
      %reduce_sum3A_43 = arith.constant true
      %reduce_sum3A_44 = vector.broadcast %reduce_sum3A_43 : i1 to vector<16xi1>
      %reduce_sum3A_45 = tpu.scan <sum>, %scan3A_41#1 masked %reduce_sum3A_44 : vector<16xi32>, vector<16xi1> -> vector<16xi32>
      %reduce_sum3A_46 = vector.extract %reduce_sum3A_45[15] : i32 from vector<16xi32>
      %sc_fetch_and_add3A_47 = arith.constant 71 : i32
      %sc_fetch_and_add3A_48 = arith.constant 0 : i32
      %sc_fetch_and_add3A_49 = tpu.fetch_and_add_sync %arg6[%sc_fetch_and_add3A_47], %reduce_sum3A_46, %sc_fetch_and_add3A_48 : memref<73xi32, #tpu.memory_space<smem>>, i32 -> i32
      %reduce_sum3A_50 = arith.constant true
      %reduce_sum3A_51 = vector.broadcast %reduce_sum3A_50 : i1 to vector<16xi1>
      %reduce_sum3A_52 = tpu.scan <sum>, %scan3A_41#0 masked %reduce_sum3A_51 : vector<16xf32>, vector<16xi1> -> vector<16xf32>
      %reduce_sum3A_53 = vector.extract %reduce_sum3A_52[15] : f32 from vector<16xf32>
      %mul3A_54 = arith.constant 1.024000e+03 : f32
      %mul3A_55 = arith.mulf %reduce_sum3A_53, %mul3A_54 : f32
      %add3A = arith.constant 5.000000e-01 : f32
      %add3A_56 = arith.addf %mul3A_55, %add3A : f32
      %convert_element_type3A_57 = arith.fptosi %add3A_56 : f32 to i32
      %sc_fetch_and_add3A_58 = arith.constant 72 : i32
      %sc_fetch_and_add3A_59 = arith.constant 0 : i32
      %sc_fetch_and_add3A_60 = tpu.fetch_and_add_sync %arg6[%sc_fetch_and_add3A_58], %convert_element_type3A_57, %sc_fetch_and_add3A_59 : memref<73xi32, #tpu.memory_space<smem>>, i32 -> i32
      %barrier3A_61 = arith.constant 0 : index
      tpu.barrier barrier_id(%barrier3A_61)
      %eq3A_62 = arith.constant 0 : i32
      %eq3A_63 = arith.cmpi eq, %arg1, %eq3A_62 : i32
      %convert_element_type3A_64 = arith.extui %eq3A_63 : i1 to i32
      %cond3A_65 = arith.constant 0 : i32
      %cond3A_66 = arith.cmpi ne, %convert_element_type3A_64, %cond3A_65 : i32
      scf.if %cond3A_66 {
        %sc_fetch_and_add3A_67 = arith.constant 0 : i32
        %sc_fetch_and_add3A_68 = arith.constant 71 : i32
        %sc_fetch_and_add3A_69 = arith.constant 0 : i32
        %sc_fetch_and_add3A_70 = tpu.fetch_and_add_sync %arg6[%sc_fetch_and_add3A_68], %sc_fetch_and_add3A_67, %sc_fetch_and_add3A_69 : memref<73xi32, #tpu.memory_space<smem>>, i32 -> i32
        %sc_fetch_and_add3A_71 = arith.constant 0 : i32
        %sc_fetch_and_add3A_72 = arith.constant 72 : i32
        %sc_fetch_and_add3A_73 = arith.constant 0 : i32
        %sc_fetch_and_add3A_74 = tpu.fetch_and_add_sync %arg6[%sc_fetch_and_add3A_72], %sc_fetch_and_add3A_71, %sc_fetch_and_add3A_73 : memref<73xi32, #tpu.memory_space<smem>>, i32 -> i32
        %convert_element_type3A_75 = arith.sitofp %sc_fetch_and_add3A_74 : i32 to f32
        %mul3A_76 = arith.constant 9.765625E-4 : f32
        %mul3A_77 = arith.mulf %convert_element_type3A_75, %mul3A_76 : f32
        %sub3A = arith.constant 4096 : i32
        %sub3A_78 = arith.subi %sub3A, %sc_fetch_and_add3A_70 : i32
        %convert_element_type3A_79 = arith.sitofp %sub3A_78 : i32 to f32
        %mul3A_80 = arith.mulf %convert_element_type3A_79, %bitcast_convert_type3A : f32
        %add3A_81 = arith.addf %mul3A_77, %mul3A_80 : f32
        %mul3A_82 = arith.constant 2.44140625E-4 : f32
        %mul3A_83 = arith.mulf %add3A_81, %mul3A_82 : f32
        %broadcast_in_dim3A_84 = vector.broadcast %mul3A_83 : f32 to vector<16xf32>
        %swap3A = arith.constant 0 : index
        %swap3A_85 = tpu.vector_load %arg5[%swap3A] {strides = array<i32>} : memref<16xf32, #tpu.memory_space<vmem>>, vector<16xf32>,
        tpu.vector_store %arg5[%swap3A], %broadcast_in_dim3A_84 {strides = array<i32>} : memref<16xf32, #tpu.memory_space<vmem>>, vector<16xf32>,
        "tpu.region"() ({
          %run_scoped3A = tpu.sem_alloc : memref<!tpu.dma_semaphore, #tpu.memory_space<semaphore_mem>>
          tpu.enqueue_dma source(%arg5 : memref<16xf32, #tpu.memory_space<vmem>>) target(%arg3 : memref<16xf32, #tpu.memory_space<hbm>>) target_semaphore(%run_scoped3A : memref<!tpu.dma_semaphore, #tpu.memory_space<semaphore_mem>>)
          tpu.wait_dma2 semaphore(%run_scoped3A : memref<!tpu.dma_semaphore, #tpu.memory_space<semaphore_mem>>) src(%arg5 : memref<16xf32, #tpu.memory_space<vmem>>) dst(%arg3 : memref<16xf32, #tpu.memory_space<hbm>>)
          tpu.yield
        }) : () -> ()
      } else {
      }
    } else {
    }
    return
  }
}

module attributes {stable_mosaic.version = 14 : i64} {
  func.func @_loss_body(%arg0: i32, %arg1: memref<1000x2048xf32, #tpu.memory_space<vmem>>, %arg2: memref<1x1x2048xi32, #tpu.memory_space<vmem>>, %arg3: memref<1x1x2048xf32, #tpu.memory_space<vmem>>) attributes {dimension_semantics = [#tpu.dimension_semantics<arbitrary>], iteration_bounds = array<i64: 8>, scalar_prefetch = 0 : i64, scratch_operands = 0 : i64, tpu.core_type = #tpu.core_type<tc>, window_params = [{transform_indices = @transform_0, window_bounds = array<i64: 1000, 2048>}, {transform_indices = @transform_1, window_bounds = array<i64: 1, 1, 2048>}, {transform_indices = @transform_2, window_bounds = array<i64: 1, 1, 2048>}]} {
    %get3A = arith.constant 0 : index
    %get3A_0 = arith.constant 0 : index
    %get3A_1 = vector.load %arg1[%get3A, %get3A_0] : memref<1000x2048xf32, #tpu.memory_space<vmem>>, vector<1000x2048xf32>
    %get3A_2 = arith.constant 0 : index
    %get3A_3 = arith.constant 0 : index
    %get3A_4 = arith.constant 0 : index
    %get3A_5 = vector.load %arg2[%get3A_2, %get3A_3, %get3A_4] : memref<1x1x2048xi32, #tpu.memory_space<vmem>>, vector<1x1x2048xi32>
    %get3A_6 = vector.shape_cast %get3A_5 : vector<1x1x2048xi32> to vector<2048xi32>
    %reduce_max3A = arith.constant dense<0xFF800000> : vector<2048xf32>
    %reduce_max3A_7 = vector.multi_reduction <maximumf>, %get3A_1, %reduce_max3A [0] : vector<1000x2048xf32> to vector<2048xf32>
    %broadcast_in_dim3A = vector.shape_cast %reduce_max3A_7 : vector<2048xf32> to vector<1x2048xf32>
    %sub3A = vector.broadcast %broadcast_in_dim3A : vector<1x2048xf32> to vector<1000x2048xf32>
    %sub3A_8 = arith.subf %get3A_1, %sub3A : vector<1000x2048xf32>
    %exp3A = math.exp %sub3A_8 : vector<1000x2048xf32>
    %reduce_sum3A = arith.constant dense<0.000000e+00> : vector<2048xf32>
    %reduce_sum3A_9 = vector.multi_reduction <add>, %exp3A, %reduce_sum3A [0] : vector<1000x2048xf32> to vector<2048xf32>
    %log3A = math.log %reduce_sum3A_9 : vector<2048xf32>
    %add3A = arith.addf %reduce_max3A_7, %log3A : vector<2048xf32>
    %iota3A = tpu.iota {dimensions = array<i32: 0>} : vector<1000x2048xi32>
    %broadcast_in_dim3A_10 = vector.shape_cast %get3A_6 : vector<2048xi32> to vector<1x2048xi32>
    %eq3A = vector.broadcast %broadcast_in_dim3A_10 : vector<1x2048xi32> to vector<1000x2048xi32>
    %eq3A_11 = arith.cmpi eq, %iota3A, %eq3A : vector<1000x2048xi32>
    %jit3A = arith.constant 0.000000e+00 : f32
    %broadcast_in_dim3A_12 = vector.broadcast %jit3A : f32 to vector<1000x2048xf32>
    %select_n3A = arith.select %eq3A_11, %get3A_1, %broadcast_in_dim3A_12 : vector<1000x2048xi1>, vector<1000x2048xf32>
    %reduce_sum3A_13 = arith.constant dense<0.000000e+00> : vector<2048xf32>
    %reduce_sum3A_14 = vector.multi_reduction <add>, %select_n3A, %reduce_sum3A_13 [0] : vector<1000x2048xf32> to vector<2048xf32>
    %sub3A_15 = arith.subf %add3A, %reduce_sum3A_14 : vector<2048xf32>
    %swap3A = arith.constant 0 : index
    %swap3A_16 = arith.constant 0 : index
    %swap3A_17 = arith.constant 0 : index
    %swap3A_18 = vector.load %arg3[%swap3A, %swap3A_16, %swap3A_17] : memref<1x1x2048xf32, #tpu.memory_space<vmem>>, vector<1x1x2048xf32>
    %swap3A_19 = vector.shape_cast %swap3A_18 : vector<1x1x2048xf32> to vector<2048xf32>
    %swap3A_20 = vector.shape_cast %sub3A_15 : vector<2048xf32> to vector<1x1x2048xf32>
    tpu.vector_store %arg3[%swap3A, %swap3A_16, %swap3A_17], %swap3A_20 {strides = array<i32>} : memref<1x1x2048xf32, #tpu.memory_space<vmem>>, vector<1x1x2048xf32>,
    return
  }
  func.func @transform_0(%arg0: i32) -> (i32, i32) {
    %c0_i32 = arith.constant 0 : i32
    %c0_i32_0 = arith.constant 0 : i32
    return %c0_i32, %arg0 : i32, i32
  }
  func.func @transform_1(%arg0: i32) -> (i32, i32, i32) {
    %c0_i32 = arith.constant 0 : i32
    %c0_i32_0 = arith.constant 0 : i32
    %c0_i32_1 = arith.constant 0 : i32
    return %arg0, %c0_i32, %c0_i32_0 : i32, i32, i32
  }
  func.func @transform_2(%arg0: i32) -> (i32, i32, i32) {
    %c0_i32 = arith.constant 0 : i32
    %c0_i32_0 = arith.constant 0 : i32
    %c0_i32_1 = arith.constant 0 : i32
    return %arg0, %c0_i32, %c0_i32_0 : i32, i32, i32
  }
}

</mosaic_0001>

<sc_bundles>
// kernel: kernel.4.cloned.1.call-start
scs
__scs_entry_jumppad:
0x0: {  	(pc) =	sbr.rel $0x88, $3  }
0x1: {  	(tag) =	ssettag $0x0;
	lr =	simm.s32 $0x1  }
0x2: {  	[smem:$0x3F9F] =	sst lr;
	_ =	strace $0xD0000000  }
0x3: {  	_ = 	snop  }
0x4: {  	_ = 	snop  }
0x5: {  	_ = 	snop  }
0x6: {  	_ = 	snop  }
0x7: {  	_ = 	snop  }
__scs_overlays_trampoline_lowered:
0x8: {  	[smem:$0x3FAE] =	sst s0  }
0x9: {  	[smem:$0x3FAF] =	sst s1  }
0xa: {  	[smem:$0x3FB0] =	sst s2  }
0xb: {  	[smem:$0x3FB1] =	sst s3  }
0xc: {  	[smem:$0x3FB2] =	sst s4  }
0xd: {  	[smem:$0x3FB3] =	sst s5  }
0xe: {  	[smem:$0x3FB4] =	sst s6  }
0xf: {  	[smem:$0x3FB5] =	sst s7  }
0x10: {  	[smem:$0x3FB6] =	sst s8  }
0x11: {  	[smem:$0x3FB7] =	sst s9;
	s0 =	simm.s32 @!p0 $0x0  }
0x12: {  	s1 =	sld [smem:$0x3F9D];
	s0 =	simm.s32 @p0 $0x1  }
0x13: {  	[smem:$0x3FB8] =	sst s0;
	s0 =	simm.s32 @!p1 $0x0  }
0x14: {  	s2 =	sld [smem:$0x3F9C];
	s0 =	simm.s32 @p1 $0x1  }
0x15: {  	[smem:$0x3FB9] =	sst s0;
	s0 =	simm.s32 @!p2 $0x0  }
0x16: {  	s3 =	sld [smem:$0x3FDB];
	s0 =	simm.s32 @p2 $0x1  }
0x17: {  	s4 =	simm.s32 $0x1BF5;
	[smem:$0x3FBB] =	sst s0  }
0x18: {  	s0 =	sld [smem:$0x3F9E];
	_ =	swait.ge [sflag:s4], $0x0  }
0x19: {  	s7 =	sld [smem:$0x3F9F]  }
0x1a: {  	s8 =	sadd.s32 $0xFFFFE003, lr  }
0x1b: {  	s9 =	sadd.s32 $0xFFFFFEF7, lr;
	s5 =	simm.s32 $0xFFFFFFFF;
	p2 =	slt.u32 s8, $0xFFFFF086  }
0x1c: {  	p1 =	slt.u32 s9, $0xF7A;
	s5 =	simm.s32 @!p2 $0x0  }
0x1d: {  	s5 =	simm.s32 @p1 $0x1;
	p0 =	seq.s32 s7, s2  }
0x1e: {  	s7 =	smul.u32 @!p0 $0xF7A, s2;
	p2 =	seq.s32 @!p0 s5, $0x0  }
0x1f: {  	s9 =	smul.u32 $0xF7A, s1;
	s8 =	simm.s32 @!p0 $0x1BF5;
	p2 =	por !p2, p0  }
0x20: {  	[sflag:s8] =	ssyncset.s32 @!p0 $0xFFFFF086;
	s6 =	sadd.s32 @!p0 s3, s7;
	s7 =	simm.s32 @!p0 $0x108  }
0x21: {  	s3 =	sadd.s32 s3, s9;
	s6 =	sadd.s32 @!p0 $0x88, s6;
	s7 =	simm.s32 @p2 $0x1082  }
0x22: {  	[simem:s7], [sflag:s8] =	dma.local @!p0 [hbm:s6], $0xF7A  }
0x23: {  	s9 =	sor.u32 $0xD0000000, s2;
	s6 =	simm.s32 $0x108;
	_ =	swait.ge @!p0 [sflag:s8], $0x0  }
0x24: {  	s3 =	sadd.s32 $0x88, s3;
	s6 =	simm.s32 @!p1 $0x1082;
	[sflag:s4] =	ssyncset.s32 $0xFFFFF086  }
0x25: {  	[simem:s6], [sflag:s4] =	dma.local [hbm:s3], $0xF7A  }
0x26: {  	[smem:$0x3F9F] =	sst s1;
	(tag) =	ssettag s2;
	_ =	strace s9  }
0x27: {  	s1 =	sld [smem:$0x3FAF]  }
0x28: {  	s2 =	sld [smem:$0x3FB0]  }
0x29: {  	s4 =	sld [smem:$0x3FB2]  }
0x2a: {  	p0 =	seq.s32 s5, $0x0;
	s5 =	sld [smem:$0x3FB3]  }
0x2b: {  	s6 =	sld [smem:$0x3FB4]  }
0x2c: {  	s7 =	sld [smem:$0x3FB5]  }
0x2d: {  	s3 =	simm.s32 $0x108;
	s8 =	sld [smem:$0x3FB6]  }
0x2e: {  	s3 =	simm.s32 @!p0 $0x1082;
	s9 =	sld [smem:$0x3FB7]  }
0x2f: {  	lr =	sadd.s32 s0, s3;
	s0 =	sld [smem:$0x3FAE]  }
0x30: {  	s3 =	sld [smem:$0x3FB1]  }
0x31: {  	[smem:$0x3FBA] =	sst s10  }
0x32: {  	s10 =	sld [smem:$0x3FB8];
	_ =	sdelay $0x3  }
0x33: {  	p0 =	seq.s32 s10, $0x1;
	s10 =	sld [smem:$0x3FBA];
	_ =	sdelay $0x3  }
0x34: {  	[smem:$0x3FBA] =	sst s10  }
0x35: {  	s10 =	sld [smem:$0x3FB9];
	_ =	sdelay $0x3  }
0x36: {  	p1 =	seq.s32 s10, $0x1;
	s10 =	sld [smem:$0x3FBA];
	_ =	sdelay $0x3  }
0x37: {  	[smem:$0x3FBA] =	sst s10  }
0x38: {  	s10 =	sld [smem:$0x3FBB]  }
0x39: {  	_ = 	snop;
	(pc) =	sbr.ind lr, $3  }
0x3a: {  	_ = 	snop  }
0x3b: {  	_ = 	snop  }
0x3c: {  	p2 =	seq.s32 s10, $0x1;
	s10 =	sld [smem:$0x3FBA]  }
0x3d: {  	_ =	shalt  }
0x3e: {  	_ =	shalt  }
0x3f: {  	_ =	shalt  }
0x40: {  	_ =	shalt  }
0x41: {  	_ =	shalt  }
0x42: {  	_ =	shalt  }
0x43: {  	_ =	shalt  }
0x44: {  	_ =	shalt  }
0x45: {  	_ =	shalt  }
0x46: {  	_ =	shalt  }
0x47: {  	_ =	shalt  }
0x48: {  	_ =	shalt  }
0x49: {  	_ =	shalt  }
0x4a: {  	_ =	shalt  }
0x4b: {  	_ =	shalt  }
0x4c: {  	_ =	shalt  }
0x4d: {  	_ =	shalt  }
0x4e: {  	_ =	shalt  }
0x4f: {  	_ =	shalt  }
0x50: {  	_ =	shalt  }
0x51: {  	_ =	shalt  }
0x52: {  	_ =	shalt  }
0x53: {  	_ =	shalt  }
0x54: {  	_ =	shalt  }
0x55: {  	_ =	shalt  }
0x56: {  	_ =	shalt  }
0x57: {  	_ =	shalt  }
0x58: {  	_ =	shalt  }
0x59: {  	_ =	shalt  }
0x5a: {  	_ =	shalt  }
0x5b: {  	_ =	shalt  }
0x5c: {  	_ =	shalt  }
0x5d: {  	_ =	shalt  }
0x5e: {  	_ =	shalt  }
0x5f: {  	_ =	shalt  }
0x60: {  	_ =	shalt  }
0x61: {  	_ =	shalt  }
0x62: {  	_ =	shalt  }
0x63: {  	_ =	shalt  }
0x64: {  	_ =	shalt  }
0x65: {  	_ =	shalt  }
0x66: {  	_ =	shalt  }
0x67: {  	_ =	shalt  }
0x68: {  	_ =	shalt  }
0x69: {  	_ =	shalt  }
0x6a: {  	_ =	shalt  }
0x6b: {  	_ =	shalt  }
0x6c: {  	_ =	shalt  }
0x6d: {  	_ =	shalt  }
0x6e: {  	_ =	shalt  }
0x6f: {  	_ =	shalt  }
0x70: {  	_ =	shalt  }
0x71: {  	_ =	shalt  }
0x72: {  	_ =	shalt  }
0x73: {  	_ =	shalt  }
0x74: {  	_ =	shalt  }
0x75: {  	_ =	shalt  }
0x76: {  	_ =	shalt  }
0x77: {  	_ =	shalt  }
0x78: {  	_ =	shalt  }
0x79: {  	_ =	shalt  }
0x7a: {  	_ =	shalt  }
0x7b: {  	_ =	shalt  }
0x7c: {  	_ =	shalt  }
0x7d: {  	_ =	shalt  }
0x7e: {  	_ =	shalt  }
0x7f: {  	_ =	shalt  }
0x80: {  	_ =	shalt  }
0x81: {  	_ =	shalt  }
0x82: {  	_ =	shalt  }
0x83: {  	_ =	shalt  }
0x84: {  	_ =	shalt  }
0x85: {  	_ =	shalt  }
0x86: {  	_ =	shalt  }
0x87: {  	_ =	shalt  }
.Lfunc_end0:
.L_simem_size_0:
called_computation_lowered:
.L_overlay_start_0:
0x88: {  	s2 =	sld [smem:$0x3FD9]  }
0x89: {  	s3 =	sld [smem:$0x3FFE];
	_ =	sdelay $0x1  }
0x8a: {  	s1 =	srdreg.scid  }
0x8b: {  	s0 =	sand.u32 $0x1, s1  }
0x8c: {  	s17 =	sshll.u32 s0, $0xA;
	s2 =	sadd.s32 s3, s2  }
0x8d: {  	s2 =	sadd.s32 s2, s17  }
0x8e: {  	[smem:$0x3FC6] =	sst s2  }
0x8f: {  	_ = 	snop  }
0x90: {  	s2 =	sld [smem:$0x3FD0];
	(tm) =	ssettm $0x1  }
0x91: {  	s18 =	sld [smem:$0x3FFB];
	_ =	sdelay $0x3  }
0x92: {  	_ =	strace s18  }
0x93: {  	s3 =	sld [smem:$0x3FFC];
	_ =	sdelay $0x3  }
0x94: {  	_ =	strace s3  }
0x95: {  	s3 =	sld [smem:$0x3FFD];
	_ =	sdelay $0x3  }
0x96: {  	_ =	strace s3  }
0x97: {  	_ =	strace $0x8FFFFFFF  }
0x98: {  	s19 =	sld [smem:$0x3FDB];
	_ =	sdelay $0x1  }
0x99: {  	s4 =	simm.s32 $_scs_section_size  }
0x9a: {  	s5 =	simm.s32 $_size__tile_overlayer_lowered;
	s6 =	simm.s32 $_tile_overlayer_lowered  }
0x9b: {  	s22 =	simm.s32 $0x1BFF;
	s21 =	sshll.u32 s6, $0x1;
	s3 =	sadd.s32 s4, s19  }
0x9c: {  	s7 =	simm.s32 $0x0;
	s20 =	sshll.u32 s5, $0x1;
	s5 =	sadd.s32 s21, s3  }
0x9d: {  	[timem:s7], [sflag:s22] =	dma.local [hbm:s5], s20  }
0x9e: {  	_ =	swait.ge [sflag:s22], s20  }
0x9f: {  	s4 =	ssub.s32 $0x0, s20;
	[sflag:s22] =	ssyncset.done $0x0  }
0xa0: {  	[sflag:s22] =	ssyncadd.s32 s4;
	_ =	sdelay $0x1  }
0xa1: {  	s23 =	simm.s32 $0x1B8B  }
0xa2: {  	_ =	swait.ge [sflag:s23], $0x1  }
0xa3: {  	[sflag:s23] =	ssyncset.done $0x0  }
0xa4: {  	s25 =	simm.s32 $0x1B8E;
	s24 =	sld [smem:$0x3FFE];
	[sflag:s23] =	ssyncadd.s32 $0xFFFFFFFF  }
0xa5: {  	s26 =	simm.s32 $execute0_lowered;
	[smem:$0x3FD2] =	sst s25  }
0xa6: {  	s5 =	sshll.u32 s26, $0x1;
	_ =	strace $0x80000046;
	[dreg:$0x1] =	wrdreg $0xFFFFFFFF  }
0xa7: {  	s28 =	simm.s32 $_size_execute0_lowered;
	s3 =	sadd.s32 s3, s5;
	[dreg:$0x0] =	wrdreg $0x0  }
0xa8: {  	s5 =	sshll.u32 s28, $0x1;
	[dreg:$0x2] =	wrdreg s3  }
0xa9: {  	[dreg:$0x3] =	wrdreg s5  }
0xaa: {  	[dreg:$0x4] =	wrdreg $0xC0  }
0xab: {  	_ =	task [dreg:s7], $0x5FFFF  }
0xac: {  	[dreg:$0x1] =	wrdreg $0xFFFFFFFF  }
0xad: {  	[dreg:$0x0] =	wrdreg $0x60  }
0xae: {  	[dreg:$0x2] =	wrdreg s24  }
0xaf: {  	[dreg:$0x3] =	wrdreg s2  }
0xb0: {  	[dreg:$0x4] =	wrdreg $0x9  }
0xb1: {  	_ =	task.clear_ibuf [dreg:s7], $0x5FFFF;
	_ =	strace $0x90000046  }
0xb2: {  	s29 =	simm.s32 $0x9;
	_ =	strace $0x80000048  }
0xb3: {  	_ =	swait.ge [sflag:s29], $0x1  }
0xb4: {  	[sflag:s29] =	ssyncadd.s32 $0xFFFFFFFF  }
0xb5: {  	_ =	strace $0x90000048  }
0xb6: {  	_ =	sfence  }
0xb7: {  	s30 =	sld [smem:$0x0];
	_ =	sdelay $0x2  }
0xb8: {  	s31 =	sshll.u32 s1, $0xD;
	s1 =	sshrl.u32 s1, $0x2  }
0xb9: {  	s3 =	sand.u32 $0x4000, s31;
	s1 =	sadd.s32 s1, s30  }
0xba: {  	s0 =	sor.u32 s3, s0;
	s1 =	sshll.u32 s1, $0x11  }
0xbb: {  	s0 =	sor.u32 s1, s0  }
0xbc: {  	s0 =	sadd.s32 $0x8F2B, s0  }
0xbd: {  	[sflag:s0] =	ssyncadd.remote.s32 $0x1  }
0xbe: {  	_ =	sfence.sel $0xFFFF  }
0xbf: {  	[dreg:$0x0] =	wrdreg $0xFFFFFFFF;
	(pc) =	sbr.abs _section_cstart, $3  }
0xc0: {  	[dreg:$0x1] =	wrdreg $0xFFFFFFFF  }
0xc1: {  	_ =	task.clear_ibuf [dreg:s7], $0x2FFFF;
	_ =	strace $0x9FFFFFFF  }
0xc2: {  	(tm) =	ssettm $0x7FFFFFFF  }
0xc3: {  	_ =	shalt  }
tec
execute0_lowered:
.L_overlay_start_1:
0x0: {  	(tag) =	ssettag $0x1  }
0x1: {  	s4 =	srdreg.scid  }
0x2: {  	s5 =	sand.u32 $0x1, s4  }
0x3: {  	p1 =	seq.s32 s5, $0x1  }
.Ltmp0:
0x4: {  	_ = 	snop;
	(pc) =	sbr.rel @p1 .LBB2_12-.Ltmp0, $4  }
0x5: {  	_ = 	snop  }
0x6: {  	s2 =	rddreg [dreg:$0x0];
	s3 =	simm.s32 $0x0  }
0x7: {  	[smem:$0x7FF] =	sst s3;
	s4 =	stileid.u32  }
0x8: {  	s0 =	rddreg [dreg:$0x2];
	_ =	strace $0x80000047;
	p0 =	sne.s32 s4, $0x0  }
0x9: {  	s2 =	sadd.s32 $0x800, s2;
	s4 =	sshll.u32 s4, $0x7  }
0xa: {  	s2 =	sadd.s32 s2, s4  }
0xb: {  	[tilespmem:s3], [sflag:$0x7] =	stream.linear.gather [hbm4b:s2+s3], $0x400, $0x38;
	[tilespmem:$0x480] =	vst v63  }
.Ltmp1:
0xc: {  	_ = 	snop;
	(pc) =	sbr.rel @p0 .LBB2_3-.Ltmp1, $4  }
0xd: {  	s3 =	simm.s32 $0x7  }
0xe: {  	_ =	swait.ge [sflag:s3], $0x400  }
0xf: {  	[sflag:s3] =	ssyncset.done $0x0  }
0x10: {  	[sflag:s3] =	ssyncadd.s32 $0xFFFFFC00  }
0x11: {  	s2 =	simm.s32 $0x0  }
0x12: {  	[smem:$0x0] =	sst s2  }
0x13: {  	[smem:$0x1] =	sst s2  }
0x14: {  	[smem:$0x2] =	sst s2  }
0x15: {  	[smem:$0x3] =	sst s2  }
0x16: {  	[smem:$0x4] =	sst s2  }
0x17: {  	[smem:$0x5] =	sst s2  }
0x18: {  	[smem:$0x6] =	sst s2  }
0x19: {  	[smem:$0x7] =	sst s2  }
0x1a: {  	[smem:$0x8] =	sst s2  }
0x1b: {  	[smem:$0x9] =	sst s2  }
0x1c: {  	[smem:$0xA] =	sst s2  }
0x1d: {  	[smem:$0xB] =	sst s2  }
0x1e: {  	[smem:$0xC] =	sst s2  }
0x1f: {  	[smem:$0xD] =	sst s2  }
0x20: {  	[smem:$0xE] =	sst s2  }
0x21: {  	[smem:$0xF] =	sst s2  }
0x22: {  	[smem:$0x10] =	sst s2  }
0x23: {  	[smem:$0x11] =	sst s2  }
0x24: {  	[smem:$0x12] =	sst s2  }
0x25: {  	[smem:$0x13] =	sst s2  }
0x26: {  	[smem:$0x14] =	sst s2  }
0x27: {  	[smem:$0x15] =	sst s2  }
0x28: {  	[smem:$0x16] =	sst s2  }
0x29: {  	[smem:$0x17] =	sst s2  }
0x2a: {  	[smem:$0x18] =	sst s2  }
0x2b: {  	[smem:$0x19] =	sst s2  }
0x2c: {  	[smem:$0x1A] =	sst s2  }
0x2d: {  	[smem:$0x1B] =	sst s2  }
0x2e: {  	[smem:$0x1C] =	sst s2  }
0x2f: {  	[smem:$0x1D] =	sst s2  }
0x30: {  	[smem:$0x1E] =	sst s2  }
0x31: {  	[smem:$0x1F] =	sst s2  }
0x32: {  	[smem:$0x20] =	sst s2  }
0x33: {  	[smem:$0x21] =	sst s2  }
0x34: {  	[smem:$0x22] =	sst s2  }
0x35: {  	[smem:$0x23] =	sst s2  }
0x36: {  	[smem:$0x24] =	sst s2  }
0x37: {  	[smem:$0x25] =	sst s2  }
0x38: {  	[smem:$0x26] =	sst s2  }
0x39: {  	[smem:$0x27] =	sst s2  }
0x3a: {  	[smem:$0x28] =	sst s2  }
0x3b: {  	[smem:$0x29] =	sst s2  }
0x3c: {  	[smem:$0x2A] =	sst s2  }
0x3d: {  	[smem:$0x2B] =	sst s2  }
0x3e: {  	[smem:$0x2C] =	sst s2  }
0x3f: {  	[smem:$0x2D] =	sst s2  }
0x40: {  	[smem:$0x2E] =	sst s2  }
0x41: {  	[smem:$0x2F] =	sst s2  }
0x42: {  	[smem:$0x30] =	sst s2  }
0x43: {  	[smem:$0x31] =	sst s2  }
0x44: {  	[smem:$0x32] =	sst s2  }
0x45: {  	[smem:$0x33] =	sst s2  }
0x46: {  	[smem:$0x34] =	sst s2  }
0x47: {  	[smem:$0x35] =	sst s2  }
0x48: {  	[smem:$0x36] =	sst s2  }
0x49: {  	[smem:$0x37] =	sst s2  }
0x4a: {  	[smem:$0x38] =	sst s2  }
0x4b: {  	[smem:$0x39] =	sst s2  }
0x4c: {  	[smem:$0x3A] =	sst s2  }
0x4d: {  	[smem:$0x3B] =	sst s2  }
0x4e: {  	[smem:$0x3C] =	sst s2  }
0x4f: {  	[smem:$0x3D] =	sst s2  }
0x50: {  	[smem:$0x3E] =	sst s2  }
0x51: {  	[smem:$0x3F] =	sst s2  }
0x52: {  	[smem:$0x40] =	sst s2  }
0x53: {  	[smem:$0x41] =	sst s2  }
0x54: {  	[smem:$0x42] =	sst s2  }
0x55: {  	[smem:$0x43] =	sst s2  }
0x56: {  	[smem:$0x44] =	sst s2  }
0x57: {  	[smem:$0x45] =	sst s2  }
0x58: {  	[smem:$0x46] =	sst s2  }
0x59: {  	[smem:$0x47] =	sst s2  }
0x5a: {  	[smem:$0x48] =	sst s2  }
.LBB2_3:
0x5b: {  	[bflag:$0x0] =	sbarrier.arrive $0xFFFF  }
0x5c: {  	s2 =	simm.s32 $0x0;
	s4 =	simm.s32 $0x1;
	s5 =	simm.s32 $0x2  }
0x5d: {  	s6 =	simm.s32 $0x3;
	s7 =	simm.s32 $0x4;
	s8 =	simm.s32 $0x5  }
0x5e: {  	s9 =	simm.s32 $0x6;
	s10 =	simm.s32 $0x8;
	s11 =	simm.s32 $0x9  }
0x5f: {  	s12 =	simm.s32 $0xA;
	s13 =	simm.s32 $0xB;
	s14 =	simm.s32 $0xC  }
0x60: {  	s15 =	simm.s32 $0xD;
	s16 =	simm.s32 $0xE;
	s17 =	simm.s32 $0xF  }
0x61: {  	s18 =	simm.s32 $0x10;
	s19 =	simm.s32 $0x11;
	s20 =	simm.s32 $0x12  }
0x62: {  	v0 =	vimm.s32 $0x0;
	s21 =	simm.s32 $0x13;
	s22 =	simm.s32 $0x14;
	s23 =	simm.s32 $0x0  }
.LBB2_4:
0x63: {  	s24 =	smul.u32 $0xFFFFFFFD, s23;
	_ =	sdelay $0x1  }
0x64: {  	s24 =	sadd.s32 $0x1C, s24  }
0x65: {  	s26 =	simm.s32 $0x0;
	s25 =	sshll.u32 s4, s24;
	s28 =	sshll.u32 s5, s24  }
0x66: {  	v3 =	vimm.s32 $0x0;
	v16 =	vimm.s32 $0x0;
	v2 =	vld [tilespmem:s26+$0x0];
	s30 =	sshll.u32 s6, s24;
	s29 =	sshll.u32 s7, s24;
	s31 =	sshll.u32 s9, s24  }
0x67: {  	v15 =	vimm.s32 $0x0;
	v12 =	vimm.s32 $0x0;
	v10 =	vimm.s32 $0x0;
	s1 =	sshll.u32 s3, s24;
	s25 =	sor.u32 s2, s25;
	s0 =	sor.u32 s2, s28  }
0x68: {  	v8 =	vimm.s32 $0x0;
	v5 =	vimm.s32 $0x0;
	s28 =	sor.u32 s2, s30;
	s29 =	sor.u32 s2, s29;
	s30 =	sshll.u32 s8, s24;
	v14 =	vmov s25  }
0x69: {  	s31 =	sor.u32 s2, s31;
	s1 =	sor.u32 s2, s1;
	s30 =	sor.u32 s2, s30;
	v13 =	vmov s0;
	v11 =	vmov s28;
	v9 =	vmov s29  }
0x6a: {  	v4 =	vmov s31;
	v1 =	vmov s1;
	v6 =	vmov s30  }
0x6b: {  	vm3 =	vge.s32 v2, v14;
	vm2 =	vge.s32 v2, v13;
	vm4 =	vge.s32 v2, v1  }
0x6c: {  	s26 =	simm.s32 $0x10;
	s25 =	simm.s32 $0x80;
	vm1 =	vge.s32 v2, v11;
	vm0 =	vge.s32 v2, v9;
	v7 =	vsel vm4, $0x1, v0  }
.LBB2_5:
0x6d: {  	p1 =	sne.s32 s25, $0xFC0;
	vm4 =	vge.s32 v2, v6;
	vm5 =	vge.s32 v2, v4;
	v2 =	vld [tilespmem:s26+$0x0];
	v3 =	vadd.s32 v7, v3  }
0x6e: {  	v7 =	vsel vm3, $0x1, v0;
	v17 =	vsel vm2, $0x1, v0;
	v18 =	vsel vm1, $0x1, v0  }
.Ltmp2:
0x6f: {  	v19 =	vsel vm0, $0x1, v0;
	v20 =	vsel vm4, $0x1, v0;
	v21 =	vsel vm5, $0x1, v0;
	(pc) =	sbr.rel @p1 .LBB2_5-.Ltmp2, $4  }
0x70: {  	v16 =	vadd.s32 v7, v16;
	v15 =	vadd.s32 v17, v15;
	v12 =	vadd.s32 v18, v12  }
0x71: {  	v10 =	vadd.s32 v19, v10;
	v8 =	vadd.s32 v20, v8;
	v5 =	vadd.s32 v21, v5  }
0x72: {  	vm3 =	vge.s32 v2, v14;
	vm2 =	vge.s32 v2, v13;
	vm4 =	vge.s32 v2, v1  }
0x73: {  	s26 =	sshra.s32 s25, $0x2;
	s25 =	sadd.s32 $0x40, s25;
	vm1 =	vge.s32 v2, v11;
	vm0 =	vge.s32 v2, v9;
	v7 =	vsel vm4, $0x1, v0  }
0x74: {  	v17 =	vld [tilespmem:s26+$0x0];
	_ =	sdelay $0x4  }
0x75: {  	v18 =	vsel vm3, $0x1, v0;
	vm7 =	vge.s32 v17, v14  }
0x76: {  	v50 =	vadd.s32 v18, v16;
	v51 =	vsel vm7, $0x1, v0  }
0x77: {  	v14 =	vadd.s32 v51, v50  }
0x78: {  	(xrf0) =	vadd.scan.msk.s32 $0xffff, v14;
	_ =	sdelay $0x5  }
0x79: {  	v14, _, _ =	vpop (xrf0)  }
0x7a: {  	(v2sf) =	vpush v14, $0xF;
	_ =	sdelay $0xc  }
0x7b: {  	s1 =	smul.u32 $0x1C, s23;
	_ =	sdelay $0x1  }
0x7c: {  	v52 =	vsel vm2, $0x1, v0;
	[sflag:s3] =	ssyncset.done $0x0;
	s25 =	sshra.s32 s1, $0x2;
	vm8 =	vge.s32 v17, v13;
	s0 =	spop (v2sf)  }
0x7d: {  	v53 =	vadd.s32 v52, v15;
	v54 =	vsel vm8, $0x1, v0;
	[smem:s25], [sflag:$0x7] =	smem.add.s32 s0  }
0x7e: {  	v13 =	vadd.s32 v54, v53;
	_ =	swait.done [sflag:s3]  }
0x7f: {  	(xrf0) =	vadd.scan.msk.s32 $0xffff, v13;
	_ =	sdelay $0x5  }
0x80: {  	v13, _, _ =	vpop (xrf0)  }
0x81: {  	(v2sf) =	vpush v13, $0xF;
	_ =	sdelay $0xc  }
0x82: {  	[sflag:s3] =	ssyncset.s32 $0x0  }
0x83: {  	[sflag:s3] =	ssyncset.done $0x0  }
0x84: {  	v55 =	vsel vm1, $0x1, v0;
	s26 =	sadd.s32 $0x1, s25;
	vm9 =	vge.s32 v17, v11;
	[sflag:s10] =	ssyncset.done $0x0;
	s28 =	spop (v2sf)  }
0x85: {  	v56 =	vadd.s32 v55, v12;
	v57 =	vsel vm9, $0x1, v0;
	[smem:s26], [sflag:$0x8] =	smem.add.s32 s28  }
0x86: {  	v11 =	vadd.s32 v57, v56;
	_ =	swait.done [sflag:s10]  }
0x87: {  	(xrf0) =	vadd.scan.msk.s32 $0xffff, v11;
	_ =	sdelay $0x5  }
0x88: {  	v11, _, _ =	vpop (xrf0)  }
0x89: {  	(v2sf) =	vpush v11, $0xF;
	_ =	sdelay $0xc  }
0x8a: {  	[sflag:s10] =	ssyncset.s32 $0x0  }
0x8b: {  	[sflag:s10] =	ssyncset.done $0x0  }
0x8c: {  	v58 =	vsel vm0, $0x1, v0;
	vm10 =	vge.s32 v17, v9;
	s28 =	sadd.s32 $0x2, s25;
	[sflag:s11] =	ssyncset.done $0x0;
	s29 =	spop (v2sf)  }
0x8d: {  	v59 =	vadd.s32 v58, v10;
	v60 =	vsel vm10, $0x1, v0;
	[smem:s28], [sflag:$0x9] =	smem.add.s32 s29  }
0x8e: {  	v9 =	vadd.s32 v60, v59;
	_ =	swait.done [sflag:s11]  }
0x8f: {  	(xrf0) =	vadd.scan.msk.s32 $0xffff, v9;
	_ =	sdelay $0x5  }
0x90: {  	v9, _, _ =	vpop (xrf0)  }
0x91: {  	(v2sf) =	vpush v9, $0xF;
	_ =	sdelay $0xc  }
0x92: {  	[sflag:s11] =	ssyncset.s32 $0x0  }
0x93: {  	vm11 =	vge.s32 v2, v6;
	[sflag:s11] =	ssyncset.done $0x0  }
0x94: {  	v61 =	vsel vm11, $0x1, v0;
	vm12 =	vge.s32 v17, v6;
	s29 =	sadd.s32 $0x3, s25;
	[sflag:s12] =	ssyncset.done $0x0;
	s30 =	spop (v2sf)  }
0x95: {  	v62 =	vadd.s32 v61, v8;
	v63 =	vsel vm12, $0x1, v0;
	[smem:s29], [sflag:$0xA] =	smem.add.s32 s30  }
0x96: {  	v6 =	vadd.s32 v63, v62;
	_ =	swait.done [sflag:s12]  }
0x97: {  	(xrf0) =	vadd.scan.msk.s32 $0xffff, v6;
	_ =	sdelay $0x5  }
0x98: {  	v6, _, _ =	vpop (xrf0)  }
0x99: {  	(v2sf) =	vpush v6, $0xF;
	_ =	sdelay $0xc  }
0x9a: {  	[sflag:s12] =	ssyncset.s32 $0x0  }
0x9b: {  	vm13 =	vge.s32 v2, v4;
	[sflag:s12] =	ssyncset.done $0x0  }
0x9c: {  	v2 =	vsel vm13, $0x1, v0;
	vm14 =	vge.s32 v17, v4;
	s30 =	sadd.s32 $0x4, s25;
	[sflag:s13] =	ssyncset.done $0x0;
	s31 =	spop (v2sf)  }
0x9d: {  	v2 =	vadd.s32 v2, v5;
	v4 =	vsel vm14, $0x1, v0;
	[smem:s30], [sflag:$0xB] =	smem.add.s32 s31  }
0x9e: {  	v2 =	vadd.s32 v4, v2;
	_ =	swait.done [sflag:s13]  }
0x9f: {  	(xrf0) =	vadd.scan.msk.s32 $0xffff, v2;
	_ =	sdelay $0x5  }
0xa0: {  	v2, _, _ =	vpop (xrf0)  }
0xa1: {  	(v2sf) =	vpush v2, $0xF;
	_ =	sdelay $0xc  }
0xa2: {  	[sflag:s13] =	ssyncset.s32 $0x0  }
0xa3: {  	[sflag:s13] =	ssyncset.done $0x0  }
0xa4: {  	vm15 =	vge.s32 v17, v1;
	s31 =	sadd.s32 $0x5, s25;
	[sflag:s14] =	ssyncset.done $0x0;
	s0 =	spop (v2sf)  }
0xa5: {  	v1 =	vadd.s32 v7, v3;
	v2 =	vsel vm15, $0x1, v0;
	[smem:s31], [sflag:$0xC] =	smem.add.s32 s0  }
0xa6: {  	v1 =	vadd.s32 v2, v1;
	_ =	swait.done [sflag:s14]  }
0xa7: {  	(xrf0) =	vadd.scan.msk.s32 $0xffff, v1;
	_ =	sdelay $0x5  }
0xa8: {  	v1, _, _ =	vpop (xrf0)  }
0xa9: {  	(v2sf) =	vpush v1, $0xF;
	_ =	sdelay $0xc  }
0xaa: {  	[sflag:s14] =	ssyncset.s32 $0x0  }
0xab: {  	[sflag:s14] =	ssyncset.done $0x0  }
0xac: {  	s0 =	sadd.s32 $0x6, s25;
	[sflag:s15] =	ssyncset.done $0x0;
	s1 =	spop (v2sf)  }
0xad: {  	[smem:s0], [sflag:$0xD] =	smem.add.s32 s1  }
0xae: {  	_ =	swait.done [sflag:s15]  }
0xaf: {  	[sflag:s15] =	ssyncset.s32 $0x0  }
0xb0: {  	[sflag:s15] =	ssyncset.done $0x0  }
0xb1: {  	[bflag:$0x0] =	sbarrier.arrive $0xFFFF  }
0xb2: {  	[sflag:s16] =	ssyncset.done $0x0  }
0xb3: {  	[smem:s25], [sflag:$0xE] =	smem.add.s32 $0x0  }
0xb4: {  	_ =	swait.done [sflag:s16]  }
0xb5: {  	s1 =	ssyncread [sflag:$0xE]  }
0xb6: {  	[sflag:s16] =	ssyncset.s32 $0x0  }
0xb7: {  	[sflag:s16] =	ssyncset.done $0x0  }
0xb8: {  	[sflag:s17] =	ssyncset.done $0x0  }
0xb9: {  	[smem:s26], [sflag:$0xF] =	smem.add.s32 $0x0  }
0xba: {  	_ =	swait.done [sflag:s17]  }
0xbb: {  	s25 =	ssyncread [sflag:$0xF]  }
0xbc: {  	[sflag:s17] =	ssyncset.s32 $0x0  }
0xbd: {  	[sflag:s17] =	ssyncset.done $0x0  }
0xbe: {  	[sflag:s18] =	ssyncset.done $0x0  }
0xbf: {  	[smem:s28], [sflag:$0x10] =	smem.add.s32 $0x0  }
0xc0: {  	_ =	swait.done [sflag:s18]  }
0xc1: {  	s26 =	ssyncread [sflag:$0x10]  }
0xc2: {  	[sflag:s18] =	ssyncset.s32 $0x0  }
0xc3: {  	[sflag:s18] =	ssyncset.done $0x0  }
0xc4: {  	[sflag:s19] =	ssyncset.done $0x0  }
0xc5: {  	[smem:s29], [sflag:$0x11] =	smem.add.s32 $0x0  }
0xc6: {  	_ =	swait.done [sflag:s19]  }
0xc7: {  	s28 =	ssyncread [sflag:$0x11]  }
0xc8: {  	[sflag:s19] =	ssyncset.s32 $0x0  }
0xc9: {  	[sflag:s19] =	ssyncset.done $0x0  }
0xca: {  	[sflag:s20] =	ssyncset.done $0x0  }
0xcb: {  	[smem:s30], [sflag:$0x12] =	smem.add.s32 $0x0  }
0xcc: {  	_ =	swait.done [sflag:s20]  }
0xcd: {  	s29 =	ssyncread [sflag:$0x12]  }
0xce: {  	[sflag:s20] =	ssyncset.s32 $0x0  }
0xcf: {  	[sflag:s20] =	ssyncset.done $0x0  }
0xd0: {  	[sflag:s21] =	ssyncset.done $0x0  }
0xd1: {  	[smem:s31], [sflag:$0x13] =	smem.add.s32 $0x0  }
0xd2: {  	p1 =	sgt.s32 s1, $0xFFF;
	s1 =	simm.s32 $0x1;
	_ =	swait.done [sflag:s21]  }
0xd3: {  	p2 =	sgt.s32 s25, $0xFFF;
	s25 =	simm.s32 $0x1;
	s30 =	ssyncread [sflag:$0x13]  }
0xd4: {  	s1 =	simm.s32 @!p1 $0x0;
	s25 =	simm.s32 @!p2 $0x0;
	[sflag:s21] =	ssyncset.s32 $0x0  }
0xd5: {  	s1 =	sadd.s32 s1, s25;
	s25 =	simm.s32 $0x1;
	[sflag:s21] =	ssyncset.done $0x0  }
0xd6: {  	p1 =	sgt.s32 s26, $0xFFF;
	s26 =	simm.s32 $0x1;
	[sflag:s22] =	ssyncset.done $0x0  }
0xd7: {  	s26 =	simm.s32 @!p1 $0x0;
	p1 =	sgt.s32 s28, $0xFFF;
	[smem:s0], [sflag:$0x14] =	smem.add.s32 $0x0  }
0xd8: {  	s28 =	sadd.s32 s26, s1;
	s1 =	simm.s32 $0x1;
	_ =	swait.done [sflag:s22]  }
0xd9: {  	s25 =	simm.s32 @!p1 $0x0;
	p1 =	sgt.s32 s29, $0xFFF;
	s31 =	ssyncread [sflag:$0x14]  }
0xda: {  	s23 =	sadd.s32 $0x1, s23;
	s1 =	simm.s32 @!p1 $0x0;
	s0 =	sadd.s32 s25, s28  }
0xdb: {  	p1 =	sgt.s32 s30, $0xFFF;
	s0 =	sadd.s32 s1, s0;
	s1 =	simm.s32 $0x1  }
0xdc: {  	s25 =	simm.s32 $0x1;
	s1 =	simm.s32 @!p1 $0x0;
	p1 =	sgt.s32 s31, $0xFFF  }
0xdd: {  	s25 =	simm.s32 @!p1 $0x0;
	p1 =	sne.s32 s23, $0xA  }
.Ltmp3:
0xde: {  	_ = 	snop;
	(pc) =	sbr.rel @p1 .LBB2_4-.Ltmp3, $4  }
0xdf: {  	s0 =	sadd.s32 s1, s0  }
0xe0: {  	s0 =	sadd.s32 s25, s0  }
0xe1: {  	[sflag:s22] =	ssyncset.s32 $0x0;
	s0 =	sshll.u32 s0, s24  }
0xe2: {  	[sflag:s22] =	ssyncset.done $0x0;
	s2 =	sor.u32 s2, s0  }
0xe3: {  	s0 =	simm.s32 $0x0  }
0xe4: {  	s3 =	sor.u32 $0x1, s2;
	v3 =	vld [tilespmem:s0+$0x0]  }
0xe5: {  	v1 =	vimm.s32 $0x0;
	s4 =	simm.s32 $0x40;
	v2 =	vimm.s32 $0x0;
	v0 =	vmov s3  }
.LBB2_8:
0xe6: {  	p1 =	sne.s32 s4, $0xFC0  }
.Ltmp4:
0xe7: {  	_ = 	snop;
	(pc) =	sbr.rel @p1 .LBB2_8-.Ltmp4, $4  }
0xe8: {  	_ = 	snop  }
0xe9: {  	s0 =	sshra.s32 s4, $0x2;
	s4 =	sadd.s32 $0x40, s4;
	vm0 =	vge.s32 v3, v0  }
0xea: {  	v3 =	vld [tilespmem:s0+$0x0];
	v4 =	vsel vm0, $0x1, v1  }
0xeb: {  	v2 =	vadd.s32 v4, v2  }
0xec: {  	_ =	sdelay $0x2  }
0xed: {  	vm0 =	vge.s32 v3, v0  }
0xee: {  	v0 =	vsel vm0, $0x1, v1  }
0xef: {  	v0 =	vadd.s32 v0, v2  }
0xf0: {  	(xrf0) =	vadd.scan.msk.s32 $0xffff, v0;
	_ =	sdelay $0x5  }
0xf1: {  	v0, _, _ =	vpop (xrf0)  }
0xf2: {  	(v2sf) =	vpush v0, $0xF;
	_ =	sdelay $0xd  }
0xf3: {  	s0 =	simm.s32 $0x1  }
0xf4: {  	s4 =	simm.s32 $0x46;
	[sflag:s0] =	ssyncset.done $0x0;
	s1 =	spop (v2sf)  }
0xf5: {  	[smem:s4], [sflag:$0x1] =	smem.add.s32 s1  }
0xf6: {  	_ =	swait.done [sflag:s0]  }
0xf7: {  	[sflag:s0] =	ssyncset.s32 $0x0  }
0xf8: {  	[sflag:s0] =	ssyncset.done $0x0  }
0xf9: {  	s29 =	simm.s32 $0x2;
	[bflag:$0x0] =	sbarrier.arrive $0xFFFF  }
0xfa: {  	[sflag:s29] =	ssyncset.done $0x0  }
0xfb: {  	[smem:s4], [sflag:$0x2] =	smem.add.s32 $0x0  }
0xfc: {  	_ =	swait.done [sflag:s29]  }
0xfd: {  	s30 =	ssyncread [sflag:$0x2];
	_ =	sdelay $0x1  }
0xfe: {  	[sflag:s29] =	ssyncset.s32 $0x0  }
0xff: {  	s31 =	simm.s32 $0x0;
	[sflag:s29] =	ssyncset.done $0x0;
	p1 =	sgt.s32 s30, $0xFFF  }
0x100: {  	v4 =	vimm.s32 $0x0;
	v1 =	vld [tilespmem:s31+$0x0];
	s2 =	smov.u32 @p1 s3  }
0x101: {  	v3 =	vimm.s32 $0x0;
	v0 =	vimm.f32 $0.0e+00;
	s3 =	simm.s32 $0x40;
	v2 =	vmov s2  }
.LBB2_10:
0x102: {  	p1 =	sne.s32 s3, $0xFC0  }
.Ltmp5:
0x103: {  	_ = 	snop;
	(pc) =	sbr.rel @p1 .LBB2_10-.Ltmp5, $4  }
0x104: {  	_ = 	snop  }
0x105: {  	s0 =	sshra.s32 s3, $0x2;
	s3 =	sadd.s32 $0x40, s3;
	vm0 =	vlt.s32 v2, v1  }
0x106: {  	v5 =	vnsel vm0, $0x0, v1;
	v1 =	vld [tilespmem:s0+$0x0];
	v6 =	vsel vm0, $0x1, v3  }
0x107: {  	v0 =	vadd.f32 v5, v0;
	v4 =	vadd.s32 v6, v4  }
0x108: {  	_ =	sdelay $0x2  }
0x109: {  	vm0 =	vlt.s32 v2, v1  }
0x10a: {  	v2 =	vsel vm0, $0x1, v3  }
0x10b: {  	v2 =	vadd.s32 v2, v4  }
0x10c: {  	(xrf0) =	vadd.scan.msk.s32 $0xffff, v2;
	_ =	sdelay $0x5  }
0x10d: {  	v2, _, _ =	vpop (xrf0)  }
0x10e: {  	(v2sf) =	vpush v2, $0xF;
	_ =	sdelay $0xd  }
0x10f: {  	s0 =	simm.s32 $0x3  }
0x110: {  	s3 =	simm.s32 $0x47;
	[sflag:s0] =	ssyncset.done $0x0;
	v1 =	vnsel vm0, $0x0, v1;
	s1 =	spop (v2sf)  }
0x111: {  	v0 =	vadd.f32 v1, v0;
	[smem:s3], [sflag:$0x3] =	smem.add.s32 s1  }
0x112: {  	_ =	swait.done [sflag:s0]  }
0x113: {  	(xrf2) =	vadd.scan.msk.f32 $0xffff, v0;
	_ =	sdelay $0x9  }
0x114: {  	v0, _, _ =	vpop (xrf2)  }
0x115: {  	(v2sf) =	vpush v0, $0xF;
	_ =	sdelay $0xe  }
0x116: {  	s29 =	spop (v2sf)  }
0x117: {  	s1 =	smul.f32 $1.024000000e+03, s29;
	_ =	sdelay $0x1  }
0x118: {  	s1 =	sadd.f32 $5.000000000e-01, s1  }
0x119: {  	[sflag:s0] =	ssyncset.s32 $0x0  }
0x11a: {  	s31 =	simm.s32 $0x4;
	[sflag:s0] =	ssyncset.done $0x0;
	s30 =	scvt.f32.s32 s1  }
0x11b: {  	s4 =	simm.s32 $0x48;
	[sflag:s31] =	ssyncset.done $0x0  }
0x11c: {  	[smem:s4], [sflag:$0x4] =	smem.add.s32 s30  }
0x11d: {  	_ =	swait.done [sflag:s31]  }
0x11e: {  	[sflag:s31] =	ssyncset.s32 $0x0  }
0x11f: {  	[sflag:s31] =	ssyncset.done $0x0  }
0x120: {  	s0 =	simm.s32 @!p0 $0x5;
	[bflag:$0x0] =	sbarrier.arrive $0xFFFF  }
0x121: {  	[sflag:s0] =	ssyncset.done @!p0 $0x0  }
0x122: {  	[smem:s3], [sflag:$0x5] =	smem.add.s32 @!p0 $0x0  }
0x123: {  	_ =	swait.done @!p0 [sflag:s0]  }
0x124: {  	s1 =	ssyncread @!p0 [sflag:$0x5]  }
0x125: {  	[sflag:s0] =	ssyncset.s32 @!p0 $0x0  }
0x126: {  	[sflag:s0] =	ssyncset.done @!p0 $0x0;
	s0 =	simm.s32 @!p0 $0x6  }
0x127: {  	[sflag:s0] =	ssyncset.done @!p0 $0x0  }
0x128: {  	[smem:s4], [sflag:$0x6] =	smem.add.s32 @!p0 $0x0  }
0x129: {  	_ =	swait.done @!p0 [sflag:s0]  }
0x12a: {  	s3 =	ssyncread @!p0 [sflag:$0x6]  }
0x12b: {  	s1 =	ssub.s32 @!p0 $0x1000, s1  }
0x12c: {  	s1 =	scvt.s32.f32 @!p0 s1  }
0x12d: {  	s3 =	scvt.s32.f32 @!p0 s3  }
0x12e: {  	s1 =	smul.f32 @!p0 s1, s2  }
0x12f: {  	s3 =	smul.f32 @!p0 $9.765625000e-04, s3;
	_ =	sdelay $0x1  }
0x130: {  	s1 =	sadd.f32 @!p0 s3, s1;
	_ =	sdelay $0x1  }
0x131: {  	s1 =	smul.f32 @!p0 $2.441406250e-04, s1  }
0x132: {  	[sflag:s0] =	ssyncset.s32 @!p0 $0x0  }
0x133: {  	[sflag:s0] =	ssyncset.done @!p0 $0x0;
	v0 =	vmov @!p0 s1  }
0x134: {  	s0 =	simm.s32 @!p0 $0x0;
	s2 =	rddreg [dreg:$0x1];
	s1 =	simm.s32 @!p0 $0x400;
	[tilespmem:$0x400] =	vst @!p0 v0  }
0x135: {  	[hbm4b:s2+s0] =	stream.linear.scatter @!p0 [tilespmem:s1], [sflag:$0x7], $0x80, $0x38;
	[tilespmem:$0x480] =	vst v63  }
0x136: {  	s0 =	simm.s32 @!p0 $0x7  }
0x137: {  	_ =	swait.ge @!p0 [sflag:s0], $0x80  }
0x138: {  	[sflag:s0] =	ssyncset.done @!p0 $0x0  }
0x139: {  	[sflag:s0] =	ssyncadd.s32 @!p0 $0xFFFFFF80  }
0x13a: {  	s0 =	rddreg [dreg:$0x2]  }
.LBB2_12:
0x13b: {  	_ =	sfence.sel $0x180000  }
0x13c: {  	[bflag:$0x0] =	sbarrier.arrive $0xFFFF  }
0x13d: {  	_ =	strace $0x90000047  }
0x13e: {  	s0 =	sadd.s32 @!p0 $0x100000, s0;
	[bflag:$0x2] =	sbarrier.arrive $0xFFFF  }
0x13f: {  	[sflag:s0] =	ssyncadd.tile.s32 @!p0 $0x1;
	_ =	shalt  }
.Lfunc_end2:
_tile_overlayer_lowered:
.L_overlay_start_2:
0x140: {  	(tag) =	ssettag $0x2  }
0x141: {  	s0 =	rddreg [dreg:$0x0];
	s2 =	stileid.u32  }
0x142: {  	s1 =	rddreg [dreg:$0x1];
	p0 =	sne.s32 s2, $0x0  }
0x143: {  	s3 =	rddreg [dreg:$0x2];
	[bflag:$0x3] =	sbarrier.arrive $0xFFFF;
	s2 =	simm.s32 @!p0 $0x1C01  }
0x144: {  	[timem:s3], [sflag:s2] =	dma.local @!p0 [hbm:s0], s1  }
0x145: {  	s0 =	simm.s32 @!p0 $0x1  }
0x146: {  	_ =	swait.ge @!p0 [sflag:s0], s1  }
0x147: {  	s1 =	ssub.s32 @!p0 $0x0, s1;
	[sflag:s0] =	ssyncset.done @!p0 $0x0  }
0x148: {  	[sflag:s0] =	ssyncadd.s32 @!p0 s1  }
0x149: {  	[bflag:$0x3] =	sbarrier.arrive $0xFFFF  }
0x14a: {  	_ =	shalt  }

</sc_bundles>
